<compile_context>
chip_gen: v7x
topology: tpu7x:2x2x1
jax: 0.10.2.dev20260603
libtpu: 0.0.44.dev20260713+nightly
codegen_flags: <defaults>
</compile_context>

<pallas_src>
import functools

import jax
import jax.numpy as jnp
from jax import lax
from jax.experimental import pallas as pl
from jax.experimental.pallas import tpu as pltpu
from jax.experimental.pallas import tpu_sc as plsc

N = 10000
E = 320000
D = 128
H = 64
NC = 2
NS = 16
L = 16
C = 80
EP = E // NS
CHUNKS_PER_TILE = EP // C
ROWS_PER_TILE = N // NS


def _sc_body(x2, col1, row1, ev1, out, part, gbuf, colb, rowb, evb, gidx, ridx,
             sem):
    c = lax.axis_index("c")
    s = lax.axis_index("s")

    pltpu.sync_copy(col1.at[pl.ds(s * EP, EP)], colb)
    pltpu.sync_copy(row1.at[pl.ds(s * EP, EP)], rowb)
    pltpu.sync_copy(ev1.at[pl.ds(s * EP, EP)], evb)

    zeros = jnp.zeros((L,), jnp.float32)
    def zrow(i, _):
        for k in range(H // L):
            gbuf[i, pl.ds(k * L, L)] = zeros
        return 0
    lax.fori_loop(0, C, zrow, 0)
    row0 = s * ROWS_PER_TILE
    nfull = ROWS_PER_TILE // C
    tail = ROWS_PER_TILE - nfull * C
    for k in range(nfull):
        pltpu.sync_copy(gbuf, part.at[pl.ds(row0 + k * C, C)])
    pltpu.sync_copy(gbuf.at[pl.ds(0, tail)], part.at[pl.ds(row0 + nfull * C, tail)])
    plsc.subcore_barrier()

    def chunk_body(g, _):
        for k in range(C // L):
            v = colb[pl.ds(g * C + k * L, L)]
            gidx[pl.ds(k * L, L)] = v * 2 + c
            ridx[pl.ds(k * L, L)] = rowb[pl.ds(g * C + k * L, L)]
        pltpu.async_copy(x2.at[gidx], gbuf, sem).wait()

        def edge_body(j, _):
            evs = plsc.load_gather(evb, [jnp.full((L,), g * C + j, jnp.int32)])
            for k in range(H // L):
                gbuf[j, pl.ds(k * L, L)] = gbuf[j, pl.ds(k * L, L)] * evs
            return 0
        lax.fori_loop(0, C, edge_body, 0)

        pltpu.sync_copy(gbuf, part.at[ridx], add=True)
        return 0

    lax.fori_loop(0, CHUNKS_PER_TILE, chunk_body, 0)
    plsc.subcore_barrier()

    for k in range(nfull):
        pltpu.sync_copy(part.at[pl.ds(row0 + k * C, C)],
                        out.at[c, pl.ds(row0 + k * C, C)])
    pltpu.sync_copy(part.at[pl.ds(row0 + nfull * C, tail)],
                    out.at[c, pl.ds(row0 + nfull * C, tail)])


_sc_spmm = functools.partial(
    pl.kernel,
    out_type=jax.ShapeDtypeStruct((NC, N, H), jnp.float32),
    mesh=plsc.VectorSubcoreMesh(core_axis_name="c", subcore_axis_name="s"),
    compiler_params=pltpu.CompilerParams(use_tc_tiling_on_sc=False,
                                         needs_layout_passes=False),
    scratch_types=[
        pltpu.VMEM_SHARED((N, H), jnp.float32),
        pltpu.VMEM((C, H), jnp.float32),
        pltpu.VMEM((EP,), jnp.int32),
        pltpu.VMEM((EP,), jnp.int32),
        pltpu.VMEM((EP,), jnp.float32),
        pltpu.VMEM((C,), jnp.int32),
        pltpu.VMEM((C,), jnp.int32),
        pltpu.SemaphoreType.DMA,
    ],
)(_sc_body)


def _tc_body(plo_ref, phi_ref, w0_ref, w1_ref, o_ref):
    acc = jnp.dot(plo_ref[...], w0_ref[...], preferred_element_type=jnp.float32)
    acc = acc + jnp.dot(phi_ref[...], w1_ref[...],
                        preferred_element_type=jnp.float32)
    o_ref[...] = jnp.maximum(acc, 0.0)


_BM = 1000


def _tc_matmul(plo, phi, w0, w1):
    return pl.pallas_call(
        _tc_body,
        grid=(N // _BM,),
        in_specs=[
            pl.BlockSpec((_BM, H), lambda i: (i, 0)),
            pl.BlockSpec((_BM, H), lambda i: (i, 0)),
            pl.BlockSpec((H, D), lambda i: (0, 0)),
            pl.BlockSpec((H, D), lambda i: (0, 0)),
        ],
        out_specs=pl.BlockSpec((_BM, D), lambda i: (i, 0)),
        out_shape=jax.ShapeDtypeStruct((N, D), jnp.float32),
    )(plo, phi, w0, w1)


def kernel(x, W, w_comb, edge_vals, edge_index):
    x2 = x.reshape(2 * N, H)
    parts = _sc_spmm(x2, edge_index[1], edge_index[0], edge_vals)
    Ws = W * w_comb[0, 0]
    return _tc_matmul(parts[0], parts[1], Ws[:H], Ws[H:])

# --- scband reference (transcript-rebuilt; emitter-appended) ---
"""Pipeline reference for scband-graph-convolution-3891240370711 (READ-ONLY COPY).

The authoritative reference and input builder live on the scoring server;
editing this copy changes nothing except your own understanding.
"""

import jax, jax.numpy as jnp
import numpy as np

N = 10000
E = 320000
D_IN = 128
D_OUT = 128
N_SUPPORT = 1


def setup_inputs(seed: int = 0) -> dict:
    key = jax.random.key(seed)
    k1, k2, k3, k4, k5 = jax.random.split(key, 5)
    x = jax.random.normal(k1, (N, D_IN), dtype=jnp.float32)
    edge_index = jax.random.randint(k2, (2, E), 0, N, dtype=jnp.int32)
    edge_vals = jax.random.uniform(k3, (E,), dtype=jnp.float32)
    # glorot init for weights_0, sized [input_dim, output_dim]
    limit = np.sqrt(6.0 / (D_IN + D_OUT))
    W = jax.random.uniform(k4, (D_IN, D_OUT), minval=-limit, maxval=limit, dtype=jnp.float32)
    # conv1d(filters=1, kernel=1, use_bias=False) over the support axis -> weight [n_support, 1]
    w_comb = jax.random.normal(k5, (N_SUPPORT, 1), dtype=jnp.float32) * 0.5
    return {"x": x, "W": W, "w_comb": w_comb, "edge_vals": edge_vals, "edge_index": edge_index}


def reference(x, W, w_comb, edge_vals, edge_index):
    # pre_sup = dot(x, weights_0)  (dense inputs, dropout=0, featureless=False)
    pre_sup = x @ W
    row = edge_index[0]
    col = edge_index[1]
    # sparse support matmul: support_ans = A @ pre_sup where A is COO(row, col, edge_vals)
    msg = pre_sup[col] * edge_vals[:, None]
    support_ans = jnp.zeros((N, D_OUT), dtype=pre_sup.dtype).at[row].add(msg)
    # supports stacked -> [N, D_OUT, n_support]; conv1d with 1 filter, kernel 1, no bias
    supports = support_ans[:, :, None]  # n_support = 1
    output = jnp.squeeze(jnp.einsum('nds,so->ndo', supports, w_comb), axis=-1)
    # act = relu; mod == 'output' returns (output, gcn_output) which are identical
    output = jax.nn.relu(output)
    return output

if __name__ == "__main__":
    import jax
    _d = setup_inputs()
    print(jax.jit(kernel)(*tuple(_d.values())))

</pallas_src>

<mosaic_0001>
#map = affine_map<(d0, d1) -> (0, 0)>
#map1 = affine_map<(d0, d1) -> (0)>
#map2 = affine_map<(d0, d1) -> (0, 0, 0)>
module attributes {stable_mosaic.version = 14 : i64} {
  func.func @_sc_body(%arg0: i32, %arg1: i32, %arg2: memref<20000x64xf32, #tpu.memory_space<hbm>>, %arg3: memref<320000xi32, #tpu.memory_space<hbm>>, %arg4: memref<320000xi32, #tpu.memory_space<hbm>>, %arg5: memref<320000xf32, #tpu.memory_space<hbm>>, %arg6: memref<2x10000x64xf32, #tpu.memory_space<hbm>>, %arg7: memref<10000x64xf32, #tpu.memory_space<vmem_shared>>, %arg8: memref<80x64xf32, #tpu.memory_space<vmem>>, %arg9: memref<20000xi32, #tpu.memory_space<vmem>>, %arg10: memref<20000xi32, #tpu.memory_space<vmem>>, %arg11: memref<20000xf32, #tpu.memory_space<vmem>>, %arg12: memref<80xi32, #tpu.memory_space<vmem>>, %arg13: memref<80xi32, #tpu.memory_space<vmem>>, %arg14: memref<!tpu.dma_semaphore, #tpu.memory_space<semaphore_mem>>) attributes {dimension_semantics = [#tpu.dimension_semantics<core_parallel>, #tpu.dimension_semantics<subcore_parallel>], iteration_bounds = array<i64: 2, 16>, scalar_prefetch = 0 : i64, scratch_operands = 8 : i64, tpu.core_type = #tpu.core_type<sc_vector_subcore>, window_params = [{transform_indices = #map}, {transform_indices = #map1}, {transform_indices = #map1}, {transform_indices = #map1}, {transform_indices = #map2}]} {
    %mul3A = arith.constant 20000 : i32
    %mul3A_0 = arith.muli %arg1, %mul3A : i32
    "tpu.region"() ({
      %run_scoped3A = tpu.sem_alloc : memref<!tpu.dma_semaphore, #tpu.memory_space<semaphore_mem>>
      %dma_start3A = tpu.memref_slice %arg3[%mul3A_0] : memref<320000xi32, #tpu.memory_space<hbm>> -> memref<20000xi32, #tpu.memory_space<hbm>>
      %dma_start3A_69 = tpu.memref_slice %arg3[%mul3A_0] : memref<320000xi32, #tpu.memory_space<hbm>> -> memref<20000xi32, #tpu.memory_space<hbm>>
      tpu.enqueue_dma source(%dma_start3A_69 : memref<20000xi32, #tpu.memory_space<hbm>>) target(%arg9 : memref<20000xi32, #tpu.memory_space<vmem>>) target_semaphore(%run_scoped3A : memref<!tpu.dma_semaphore, #tpu.memory_space<semaphore_mem>>)
      %dma_wait3A = tpu.memref_slice %arg3[%mul3A_0] : memref<320000xi32, #tpu.memory_space<hbm>> -> memref<20000xi32, #tpu.memory_space<hbm>>
      %dma_wait3A_70 = tpu.memref_slice %arg3[%mul3A_0] : memref<320000xi32, #tpu.memory_space<hbm>> -> memref<20000xi32, #tpu.memory_space<hbm>>
      tpu.wait_dma2 semaphore(%run_scoped3A : memref<!tpu.dma_semaphore, #tpu.memory_space<semaphore_mem>>) src(%dma_wait3A_70 : memref<20000xi32, #tpu.memory_space<hbm>>) dst(%arg9 : memref<20000xi32, #tpu.memory_space<vmem>>)
      tpu.yield
    }) : () -> ()
    %mul3A_1 = arith.constant 20000 : i32
    %mul3A_2 = arith.muli %arg1, %mul3A_1 : i32
    "tpu.region"() ({
      %run_scoped3A = tpu.sem_alloc : memref<!tpu.dma_semaphore, #tpu.memory_space<semaphore_mem>>
      %dma_start3A = tpu.memref_slice %arg4[%mul3A_2] : memref<320000xi32, #tpu.memory_space<hbm>> -> memref<20000xi32, #tpu.memory_space<hbm>>
      %dma_start3A_69 = tpu.memref_slice %arg4[%mul3A_2] : memref<320000xi32, #tpu.memory_space<hbm>> -> memref<20000xi32, #tpu.memory_space<hbm>>
      tpu.enqueue_dma source(%dma_start3A_69 : memref<20000xi32, #tpu.memory_space<hbm>>) target(%arg10 : memref<20000xi32, #tpu.memory_space<vmem>>) target_semaphore(%run_scoped3A : memref<!tpu.dma_semaphore, #tpu.memory_space<semaphore_mem>>)
      %dma_wait3A = tpu.memref_slice %arg4[%mul3A_2] : memref<320000xi32, #tpu.memory_space<hbm>> -> memref<20000xi32, #tpu.memory_space<hbm>>
      %dma_wait3A_70 = tpu.memref_slice %arg4[%mul3A_2] : memref<320000xi32, #tpu.memory_space<hbm>> -> memref<20000xi32, #tpu.memory_space<hbm>>
      tpu.wait_dma2 semaphore(%run_scoped3A : memref<!tpu.dma_semaphore, #tpu.memory_space<semaphore_mem>>) src(%dma_wait3A_70 : memref<20000xi32, #tpu.memory_space<hbm>>) dst(%arg10 : memref<20000xi32, #tpu.memory_space<vmem>>)
      tpu.yield
    }) : () -> ()
    %mul3A_3 = arith.constant 20000 : i32
    %mul3A_4 = arith.muli %arg1, %mul3A_3 : i32
    "tpu.region"() ({
      %run_scoped3A = tpu.sem_alloc : memref<!tpu.dma_semaphore, #tpu.memory_space<semaphore_mem>>
      %dma_start3A = tpu.memref_slice %arg5[%mul3A_4] : memref<320000xf32, #tpu.memory_space<hbm>> -> memref<20000xf32, #tpu.memory_space<hbm>>
      %dma_start3A_69 = tpu.memref_slice %arg5[%mul3A_4] : memref<320000xf32, #tpu.memory_space<hbm>> -> memref<20000xf32, #tpu.memory_space<hbm>>
      tpu.enqueue_dma source(%dma_start3A_69 : memref<20000xf32, #tpu.memory_space<hbm>>) target(%arg11 : memref<20000xf32, #tpu.memory_space<vmem>>) target_semaphore(%run_scoped3A : memref<!tpu.dma_semaphore, #tpu.memory_space<semaphore_mem>>)
      %dma_wait3A = tpu.memref_slice %arg5[%mul3A_4] : memref<320000xf32, #tpu.memory_space<hbm>> -> memref<20000xf32, #tpu.memory_space<hbm>>
      %dma_wait3A_70 = tpu.memref_slice %arg5[%mul3A_4] : memref<320000xf32, #tpu.memory_space<hbm>> -> memref<20000xf32, #tpu.memory_space<hbm>>
      tpu.wait_dma2 semaphore(%run_scoped3A : memref<!tpu.dma_semaphore, #tpu.memory_space<semaphore_mem>>) src(%dma_wait3A_70 : memref<20000xf32, #tpu.memory_space<hbm>>) dst(%arg11 : memref<20000xf32, #tpu.memory_space<vmem>>)
      tpu.yield
    }) : () -> ()
    %broadcast_in_dim3A = arith.constant 0.000000e+00 : f32
    %broadcast_in_dim3A_5 = vector.broadcast %broadcast_in_dim3A : f32 to vector<16xf32>
    %scan3A = arith.constant 0 : i32
    %scan3A_6 = arith.constant 0 : i32
    %scan3A_7 = arith.constant 80 : i32
    %scan3A_8 = arith.addi %scan3A_6, %scan3A_7 : i32
    %scan3A_9 = arith.constant 1 : i32
    %scan3A_10 = scf.for %scan3A_69 = %scan3A_6 to %scan3A_8 step %scan3A_9 iter_args(%scan3A_70 = %scan3A) -> (i32)  : i32 {
      %swap3A = arith.index_cast %scan3A_69 : i32 to index
      %swap3A_71 = arith.constant 0 : index
      %swap3A_72 = tpu.vector_load %arg8[%swap3A, %swap3A_71] {strides = array<i32>} : memref<80x64xf32, #tpu.memory_space<vmem>>, vector<16xf32>,
      tpu.vector_store %arg8[%swap3A, %swap3A_71], %broadcast_in_dim3A_5 {strides = array<i32>} : memref<80x64xf32, #tpu.memory_space<vmem>>, vector<16xf32>,
      %swap3A_73 = arith.index_cast %scan3A_69 : i32 to index
      %swap3A_74 = arith.constant 16 : index
      %swap3A_75 = tpu.vector_load %arg8[%swap3A_73, %swap3A_74] {strides = array<i32>} : memref<80x64xf32, #tpu.memory_space<vmem>>, vector<16xf32>,
      tpu.vector_store %arg8[%swap3A_73, %swap3A_74], %broadcast_in_dim3A_5 {strides = array<i32>} : memref<80x64xf32, #tpu.memory_space<vmem>>, vector<16xf32>,
      %swap3A_76 = arith.index_cast %scan3A_69 : i32 to index
      %swap3A_77 = arith.constant 32 : index
      %swap3A_78 = tpu.vector_load %arg8[%swap3A_76, %swap3A_77] {strides = array<i32>} : memref<80x64xf32, #tpu.memory_space<vmem>>, vector<16xf32>,
      tpu.vector_store %arg8[%swap3A_76, %swap3A_77], %broadcast_in_dim3A_5 {strides = array<i32>} : memref<80x64xf32, #tpu.memory_space<vmem>>, vector<16xf32>,
      %swap3A_79 = arith.index_cast %scan3A_69 : i32 to index
      %swap3A_80 = arith.constant 48 : index
      %swap3A_81 = tpu.vector_load %arg8[%swap3A_79, %swap3A_80] {strides = array<i32>} : memref<80x64xf32, #tpu.memory_space<vmem>>, vector<16xf32>,
      tpu.vector_store %arg8[%swap3A_79, %swap3A_80], %broadcast_in_dim3A_5 {strides = array<i32>} : memref<80x64xf32, #tpu.memory_space<vmem>>, vector<16xf32>,
      %scan3A_82 = arith.constant 0 : i32
      scf.yield %scan3A_82 : i32
    }
    %scan3A_11 = arith.constant 80 : i32
    %mul3A_12 = arith.constant 625 : i32
    %mul3A_13 = arith.muli %arg1, %mul3A_12 : i32
    %add3A = arith.constant 0 : i32
    %add3A_14 = arith.addi %mul3A_13, %add3A : i32
    "tpu.region"() ({
      %run_scoped3A = tpu.sem_alloc : memref<!tpu.dma_semaphore, #tpu.memory_space<semaphore_mem>>
      %dma_start3A = arith.constant 0 : i32
      %dma_start3A_69 = tpu.memref_slice %arg7[%add3A_14, %dma_start3A] : memref<10000x64xf32, #tpu.memory_space<vmem_shared>> -> memref<80x64xf32, #tpu.memory_space<vmem_shared>>
      %dma_start3A_70 = arith.constant 0 : i32
      %dma_start3A_71 = tpu.memref_slice %arg7[%add3A_14, %dma_start3A_70] : memref<10000x64xf32, #tpu.memory_space<vmem_shared>> -> memref<80x64xf32, #tpu.memory_space<vmem_shared>>
      tpu.enqueue_dma source(%arg8 : memref<80x64xf32, #tpu.memory_space<vmem>>) target(%dma_start3A_71 : memref<80x64xf32, #tpu.memory_space<vmem_shared>>) target_semaphore(%run_scoped3A : memref<!tpu.dma_semaphore, #tpu.memory_space<semaphore_mem>>)
      %dma_wait3A = arith.constant 0 : i32
      %dma_wait3A_72 = tpu.memref_slice %arg7[%add3A_14, %dma_wait3A] : memref<10000x64xf32, #tpu.memory_space<vmem_shared>> -> memref<80x64xf32, #tpu.memory_space<vmem_shared>>
      %dma_wait3A_73 = arith.constant 0 : i32
      %dma_wait3A_74 = tpu.memref_slice %arg7[%add3A_14, %dma_wait3A_73] : memref<10000x64xf32, #tpu.memory_space<vmem_shared>> -> memref<80x64xf32, #tpu.memory_space<vmem_shared>>
      tpu.wait_dma2 semaphore(%run_scoped3A : memref<!tpu.dma_semaphore, #tpu.memory_space<semaphore_mem>>) src(%arg8 : memref<80x64xf32, #tpu.memory_space<vmem>>) dst(%dma_wait3A_74 : memref<80x64xf32, #tpu.memory_space<vmem_shared>>)
      tpu.yield
    }) : () -> ()
    %add3A_15 = arith.constant 80 : i32
    %add3A_16 = arith.addi %mul3A_13, %add3A_15 : i32
    "tpu.region"() ({
      %run_scoped3A = tpu.sem_alloc : memref<!tpu.dma_semaphore, #tpu.memory_space<semaphore_mem>>
      %dma_start3A = arith.constant 0 : i32
      %dma_start3A_69 = tpu.memref_slice %arg7[%add3A_16, %dma_start3A] : memref<10000x64xf32, #tpu.memory_space<vmem_shared>> -> memref<80x64xf32, #tpu.memory_space<vmem_shared>>
      %dma_start3A_70 = arith.constant 0 : i32
      %dma_start3A_71 = tpu.memref_slice %arg7[%add3A_16, %dma_start3A_70] : memref<10000x64xf32, #tpu.memory_space<vmem_shared>> -> memref<80x64xf32, #tpu.memory_space<vmem_shared>>
      tpu.enqueue_dma source(%arg8 : memref<80x64xf32, #tpu.memory_space<vmem>>) target(%dma_start3A_71 : memref<80x64xf32, #tpu.memory_space<vmem_shared>>) target_semaphore(%run_scoped3A : memref<!tpu.dma_semaphore, #tpu.memory_space<semaphore_mem>>)
      %dma_wait3A = arith.constant 0 : i32
      %dma_wait3A_72 = tpu.memref_slice %arg7[%add3A_16, %dma_wait3A] : memref<10000x64xf32, #tpu.memory_space<vmem_shared>> -> memref<80x64xf32, #tpu.memory_space<vmem_shared>>
      %dma_wait3A_73 = arith.constant 0 : i32
      %dma_wait3A_74 = tpu.memref_slice %arg7[%add3A_16, %dma_wait3A_73] : memref<10000x64xf32, #tpu.memory_space<vmem_shared>> -> memref<80x64xf32, #tpu.memory_space<vmem_shared>>
      tpu.wait_dma2 semaphore(%run_scoped3A : memref<!tpu.dma_semaphore, #tpu.memory_space<semaphore_mem>>) src(%arg8 : memref<80x64xf32, #tpu.memory_space<vmem>>) dst(%dma_wait3A_74 : memref<80x64xf32, #tpu.memory_space<vmem_shared>>)
      tpu.yield
    }) : () -> ()
    %add3A_17 = arith.constant 160 : i32
    %add3A_18 = arith.addi %mul3A_13, %add3A_17 : i32
    "tpu.region"() ({
      %run_scoped3A = tpu.sem_alloc : memref<!tpu.dma_semaphore, #tpu.memory_space<semaphore_mem>>
      %dma_start3A = arith.constant 0 : i32
      %dma_start3A_69 = tpu.memref_slice %arg7[%add3A_18, %dma_start3A] : memref<10000x64xf32, #tpu.memory_space<vmem_shared>> -> memref<80x64xf32, #tpu.memory_space<vmem_shared>>
      %dma_start3A_70 = arith.constant 0 : i32
      %dma_start3A_71 = tpu.memref_slice %arg7[%add3A_18, %dma_start3A_70] : memref<10000x64xf32, #tpu.memory_space<vmem_shared>> -> memref<80x64xf32, #tpu.memory_space<vmem_shared>>
      tpu.enqueue_dma source(%arg8 : memref<80x64xf32, #tpu.memory_space<vmem>>) target(%dma_start3A_71 : memref<80x64xf32, #tpu.memory_space<vmem_shared>>) target_semaphore(%run_scoped3A : memref<!tpu.dma_semaphore, #tpu.memory_space<semaphore_mem>>)
      %dma_wait3A = arith.constant 0 : i32
      %dma_wait3A_72 = tpu.memref_slice %arg7[%add3A_18, %dma_wait3A] : memref<10000x64xf32, #tpu.memory_space<vmem_shared>> -> memref<80x64xf32, #tpu.memory_space<vmem_shared>>
      %dma_wait3A_73 = arith.constant 0 : i32
      %dma_wait3A_74 = tpu.memref_slice %arg7[%add3A_18, %dma_wait3A_73] : memref<10000x64xf32, #tpu.memory_space<vmem_shared>> -> memref<80x64xf32, #tpu.memory_space<vmem_shared>>
      tpu.wait_dma2 semaphore(%run_scoped3A : memref<!tpu.dma_semaphore, #tpu.memory_space<semaphore_mem>>) src(%arg8 : memref<80x64xf32, #tpu.memory_space<vmem>>) dst(%dma_wait3A_74 : memref<80x64xf32, #tpu.memory_space<vmem_shared>>)
      tpu.yield
    }) : () -> ()
    %add3A_19 = arith.constant 240 : i32
    %add3A_20 = arith.addi %mul3A_13, %add3A_19 : i32
    "tpu.region"() ({
      %run_scoped3A = tpu.sem_alloc : memref<!tpu.dma_semaphore, #tpu.memory_space<semaphore_mem>>
      %dma_start3A = arith.constant 0 : i32
      %dma_start3A_69 = tpu.memref_slice %arg7[%add3A_20, %dma_start3A] : memref<10000x64xf32, #tpu.memory_space<vmem_shared>> -> memref<80x64xf32, #tpu.memory_space<vmem_shared>>
      %dma_start3A_70 = arith.constant 0 : i32
      %dma_start3A_71 = tpu.memref_slice %arg7[%add3A_20, %dma_start3A_70] : memref<10000x64xf32, #tpu.memory_space<vmem_shared>> -> memref<80x64xf32, #tpu.memory_space<vmem_shared>>
      tpu.enqueue_dma source(%arg8 : memref<80x64xf32, #tpu.memory_space<vmem>>) target(%dma_start3A_71 : memref<80x64xf32, #tpu.memory_space<vmem_shared>>) target_semaphore(%run_scoped3A : memref<!tpu.dma_semaphore, #tpu.memory_space<semaphore_mem>>)
      %dma_wait3A = arith.constant 0 : i32
      %dma_wait3A_72 = tpu.memref_slice %arg7[%add3A_20, %dma_wait3A] : memref<10000x64xf32, #tpu.memory_space<vmem_shared>> -> memref<80x64xf32, #tpu.memory_space<vmem_shared>>
      %dma_wait3A_73 = arith.constant 0 : i32
      %dma_wait3A_74 = tpu.memref_slice %arg7[%add3A_20, %dma_wait3A_73] : memref<10000x64xf32, #tpu.memory_space<vmem_shared>> -> memref<80x64xf32, #tpu.memory_space<vmem_shared>>
      tpu.wait_dma2 semaphore(%run_scoped3A : memref<!tpu.dma_semaphore, #tpu.memory_space<semaphore_mem>>) src(%arg8 : memref<80x64xf32, #tpu.memory_space<vmem>>) dst(%dma_wait3A_74 : memref<80x64xf32, #tpu.memory_space<vmem_shared>>)
      tpu.yield
    }) : () -> ()
    %add3A_21 = arith.constant 320 : i32
    %add3A_22 = arith.addi %mul3A_13, %add3A_21 : i32
    "tpu.region"() ({
      %run_scoped3A = tpu.sem_alloc : memref<!tpu.dma_semaphore, #tpu.memory_space<semaphore_mem>>
      %dma_start3A = arith.constant 0 : i32
      %dma_start3A_69 = tpu.memref_slice %arg7[%add3A_22, %dma_start3A] : memref<10000x64xf32, #tpu.memory_space<vmem_shared>> -> memref<80x64xf32, #tpu.memory_space<vmem_shared>>
      %dma_start3A_70 = arith.constant 0 : i32
      %dma_start3A_71 = tpu.memref_slice %arg7[%add3A_22, %dma_start3A_70] : memref<10000x64xf32, #tpu.memory_space<vmem_shared>> -> memref<80x64xf32, #tpu.memory_space<vmem_shared>>
      tpu.enqueue_dma source(%arg8 : memref<80x64xf32, #tpu.memory_space<vmem>>) target(%dma_start3A_71 : memref<80x64xf32, #tpu.memory_space<vmem_shared>>) target_semaphore(%run_scoped3A : memref<!tpu.dma_semaphore, #tpu.memory_space<semaphore_mem>>)
      %dma_wait3A = arith.constant 0 : i32
      %dma_wait3A_72 = tpu.memref_slice %arg7[%add3A_22, %dma_wait3A] : memref<10000x64xf32, #tpu.memory_space<vmem_shared>> -> memref<80x64xf32, #tpu.memory_space<vmem_shared>>
      %dma_wait3A_73 = arith.constant 0 : i32
      %dma_wait3A_74 = tpu.memref_slice %arg7[%add3A_22, %dma_wait3A_73] : memref<10000x64xf32, #tpu.memory_space<vmem_shared>> -> memref<80x64xf32, #tpu.memory_space<vmem_shared>>
      tpu.wait_dma2 semaphore(%run_scoped3A : memref<!tpu.dma_semaphore, #tpu.memory_space<semaphore_mem>>) src(%arg8 : memref<80x64xf32, #tpu.memory_space<vmem>>) dst(%dma_wait3A_74 : memref<80x64xf32, #tpu.memory_space<vmem_shared>>)
      tpu.yield
    }) : () -> ()
    %add3A_23 = arith.constant 400 : i32
    %add3A_24 = arith.addi %mul3A_13, %add3A_23 : i32
    "tpu.region"() ({
      %run_scoped3A = tpu.sem_alloc : memref<!tpu.dma_semaphore, #tpu.memory_space<semaphore_mem>>
      %dma_start3A = arith.constant 0 : i32
      %dma_start3A_69 = tpu.memref_slice %arg7[%add3A_24, %dma_start3A] : memref<10000x64xf32, #tpu.memory_space<vmem_shared>> -> memref<80x64xf32, #tpu.memory_space<vmem_shared>>
      %dma_start3A_70 = arith.constant 0 : i32
      %dma_start3A_71 = tpu.memref_slice %arg7[%add3A_24, %dma_start3A_70] : memref<10000x64xf32, #tpu.memory_space<vmem_shared>> -> memref<80x64xf32, #tpu.memory_space<vmem_shared>>
      tpu.enqueue_dma source(%arg8 : memref<80x64xf32, #tpu.memory_space<vmem>>) target(%dma_start3A_71 : memref<80x64xf32, #tpu.memory_space<vmem_shared>>) target_semaphore(%run_scoped3A : memref<!tpu.dma_semaphore, #tpu.memory_space<semaphore_mem>>)
      %dma_wait3A = arith.constant 0 : i32
      %dma_wait3A_72 = tpu.memref_slice %arg7[%add3A_24, %dma_wait3A] : memref<10000x64xf32, #tpu.memory_space<vmem_shared>> -> memref<80x64xf32, #tpu.memory_space<vmem_shared>>
      %dma_wait3A_73 = arith.constant 0 : i32
      %dma_wait3A_74 = tpu.memref_slice %arg7[%add3A_24, %dma_wait3A_73] : memref<10000x64xf32, #tpu.memory_space<vmem_shared>> -> memref<80x64xf32, #tpu.memory_space<vmem_shared>>
      tpu.wait_dma2 semaphore(%run_scoped3A : memref<!tpu.dma_semaphore, #tpu.memory_space<semaphore_mem>>) src(%arg8 : memref<80x64xf32, #tpu.memory_space<vmem>>) dst(%dma_wait3A_74 : memref<80x64xf32, #tpu.memory_space<vmem_shared>>)
      tpu.yield
    }) : () -> ()
    %add3A_25 = arith.constant 480 : i32
    %add3A_26 = arith.addi %mul3A_13, %add3A_25 : i32
    "tpu.region"() ({
      %run_scoped3A = tpu.sem_alloc : memref<!tpu.dma_semaphore, #tpu.memory_space<semaphore_mem>>
      %dma_start3A = arith.constant 0 : i32
      %dma_start3A_69 = tpu.memref_slice %arg7[%add3A_26, %dma_start3A] : memref<10000x64xf32, #tpu.memory_space<vmem_shared>> -> memref<80x64xf32, #tpu.memory_space<vmem_shared>>
      %dma_start3A_70 = arith.constant 0 : i32
      %dma_start3A_71 = tpu.memref_slice %arg7[%add3A_26, %dma_start3A_70] : memref<10000x64xf32, #tpu.memory_space<vmem_shared>> -> memref<80x64xf32, #tpu.memory_space<vmem_shared>>
      tpu.enqueue_dma source(%arg8 : memref<80x64xf32, #tpu.memory_space<vmem>>) target(%dma_start3A_71 : memref<80x64xf32, #tpu.memory_space<vmem_shared>>) target_semaphore(%run_scoped3A : memref<!tpu.dma_semaphore, #tpu.memory_space<semaphore_mem>>)
      %dma_wait3A = arith.constant 0 : i32
      %dma_wait3A_72 = tpu.memref_slice %arg7[%add3A_26, %dma_wait3A] : memref<10000x64xf32, #tpu.memory_space<vmem_shared>> -> memref<80x64xf32, #tpu.memory_space<vmem_shared>>
      %dma_wait3A_73 = arith.constant 0 : i32
      %dma_wait3A_74 = tpu.memref_slice %arg7[%add3A_26, %dma_wait3A_73] : memref<10000x64xf32, #tpu.memory_space<vmem_shared>> -> memref<80x64xf32, #tpu.memory_space<vmem_shared>>
      tpu.wait_dma2 semaphore(%run_scoped3A : memref<!tpu.dma_semaphore, #tpu.memory_space<semaphore_mem>>) src(%arg8 : memref<80x64xf32, #tpu.memory_space<vmem>>) dst(%dma_wait3A_74 : memref<80x64xf32, #tpu.memory_space<vmem_shared>>)
      tpu.yield
    }) : () -> ()
    %add3A_27 = arith.constant 560 : i32
    %add3A_28 = arith.addi %mul3A_13, %add3A_27 : i32
    "tpu.region"() ({
      %run_scoped3A = tpu.sem_alloc : memref<!tpu.dma_semaphore, #tpu.memory_space<semaphore_mem>>
      %dma_start3A = arith.constant 0 : i32
      %dma_start3A_69 = arith.constant 0 : i32
      %dma_start3A_70 = tpu.memref_slice %arg8[%dma_start3A, %dma_start3A_69] : memref<80x64xf32, #tpu.memory_space<vmem>> -> memref<65x64xf32, #tpu.memory_space<vmem>>
      %dma_start3A_71 = arith.constant 0 : i32
      %dma_start3A_72 = tpu.memref_slice %arg7[%add3A_28, %dma_start3A_71] : memref<10000x64xf32, #tpu.memory_space<vmem_shared>> -> memref<65x64xf32, #tpu.memory_space<vmem_shared>>
      %dma_start3A_73 = arith.constant 0 : i32
      %dma_start3A_74 = tpu.memref_slice %arg7[%add3A_28, %dma_start3A_73] : memref<10000x64xf32, #tpu.memory_space<vmem_shared>> -> memref<65x64xf32, #tpu.memory_space<vmem_shared>>
      %dma_start3A_75 = arith.constant 0 : i32
      %dma_start3A_76 = arith.constant 0 : i32
      %dma_start3A_77 = tpu.memref_slice %arg8[%dma_start3A_75, %dma_start3A_76] : memref<80x64xf32, #tpu.memory_space<vmem>> -> memref<65x64xf32, #tpu.memory_space<vmem>>
      tpu.enqueue_dma source(%dma_start3A_77 : memref<65x64xf32, #tpu.memory_space<vmem>>) target(%dma_start3A_74 : memref<65x64xf32, #tpu.memory_space<vmem_shared>>) target_semaphore(%run_scoped3A : memref<!tpu.dma_semaphore, #tpu.memory_space<semaphore_mem>>)
      %dma_wait3A = arith.constant 0 : i32
      %dma_wait3A_78 = arith.constant 0 : i32
      %dma_wait3A_79 = tpu.memref_slice %arg8[%dma_wait3A, %dma_wait3A_78] : memref<80x64xf32, #tpu.memory_space<vmem>> -> memref<65x64xf32, #tpu.memory_space<vmem>>
      %dma_wait3A_80 = arith.constant 0 : i32
      %dma_wait3A_81 = tpu.memref_slice %arg7[%add3A_28, %dma_wait3A_80] : memref<10000x64xf32, #tpu.memory_space<vmem_shared>> -> memref<65x64xf32, #tpu.memory_space<vmem_shared>>
      %dma_wait3A_82 = arith.constant 0 : i32
      %dma_wait3A_83 = tpu.memref_slice %arg7[%add3A_28, %dma_wait3A_82] : memref<10000x64xf32, #tpu.memory_space<vmem_shared>> -> memref<65x64xf32, #tpu.memory_space<vmem_shared>>
      %dma_wait3A_84 = arith.constant 0 : i32
      %dma_wait3A_85 = arith.constant 0 : i32
      %dma_wait3A_86 = tpu.memref_slice %arg8[%dma_wait3A_84, %dma_wait3A_85] : memref<80x64xf32, #tpu.memory_space<vmem>> -> memref<65x64xf32, #tpu.memory_space<vmem>>
      tpu.wait_dma2 semaphore(%run_scoped3A : memref<!tpu.dma_semaphore, #tpu.memory_space<semaphore_mem>>) src(%dma_wait3A_86 : memref<65x64xf32, #tpu.memory_space<vmem>>) dst(%dma_wait3A_83 : memref<65x64xf32, #tpu.memory_space<vmem_shared>>)
      tpu.yield
    }) : () -> ()
    %barrier3A = arith.constant 0 : index
    tpu.barrier barrier_id(%barrier3A)
    %scan3A_29 = arith.constant 0 : i32
    %scan3A_30 = arith.constant 0 : i32
    %scan3A_31 = arith.constant 250 : i32
    %scan3A_32 = arith.addi %scan3A_30, %scan3A_31 : i32
    %scan3A_33 = arith.constant 1 : i32
    %scan3A_34 = scf.for %scan3A_69 = %scan3A_30 to %scan3A_32 step %scan3A_33 iter_args(%scan3A_70 = %scan3A_29) -> (i32)  : i32 {
      %mul3A_71 = arith.constant 80 : i32
      %mul3A_72 = arith.muli %scan3A_69, %mul3A_71 : i32
      %add3A_73 = arith.constant 0 : i32
      %add3A_74 = arith.addi %mul3A_72, %add3A_73 : i32
      %get3A = arith.index_cast %add3A_74 : i32 to index
      %get3A_75 = tpu.vector_load %arg9[%get3A] {strides = array<i32>} : memref<20000xi32, #tpu.memory_space<vmem>>, vector<16xi32>,
      %mul3A_76 = arith.constant 2 : i32
      %mul3A_77 = vector.broadcast %mul3A_76 : i32 to vector<16xi32>
      %mul3A_78 = arith.muli %get3A_75, %mul3A_77 : vector<16xi32>
      %add3A_79 = vector.broadcast %arg0 : i32 to vector<16xi32>
      %add3A_80 = arith.addi %mul3A_78, %add3A_79 : vector<16xi32>
      %swap3A = arith.constant 0 : index
      %swap3A_81 = tpu.vector_load %arg12[%swap3A] {strides = array<i32>} : memref<80xi32, #tpu.memory_space<vmem>>, vector<16xi32>,
      tpu.vector_store %arg12[%swap3A], %add3A_80 {strides = array<i32>} : memref<80xi32, #tpu.memory_space<vmem>>, vector<16xi32>,
      %mul3A_82 = arith.constant 80 : i32
      %mul3A_83 = arith.muli %scan3A_69, %mul3A_82 : i32
      %add3A_84 = arith.constant 0 : i32
      %add3A_85 = arith.addi %mul3A_83, %add3A_84 : i32
      %get3A_86 = arith.index_cast %add3A_85 : i32 to index
      %get3A_87 = tpu.vector_load %arg10[%get3A_86] {strides = array<i32>} : memref<20000xi32, #tpu.memory_space<vmem>>, vector<16xi32>,
      %swap3A_88 = arith.constant 0 : index
      %swap3A_89 = tpu.vector_load %arg13[%swap3A_88] {strides = array<i32>} : memref<80xi32, #tpu.memory_space<vmem>>, vector<16xi32>,
      tpu.vector_store %arg13[%swap3A_88], %get3A_87 {strides = array<i32>} : memref<80xi32, #tpu.memory_space<vmem>>, vector<16xi32>,
      %mul3A_90 = arith.constant 80 : i32
      %mul3A_91 = arith.muli %scan3A_69, %mul3A_90 : i32
      %add3A_92 = arith.constant 16 : i32
      %add3A_93 = arith.addi %mul3A_91, %add3A_92 : i32
      %get3A_94 = arith.index_cast %add3A_93 : i32 to index
      %get3A_95 = tpu.vector_load %arg9[%get3A_94] {strides = array<i32>} : memref<20000xi32, #tpu.memory_space<vmem>>, vector<16xi32>,
      %mul3A_96 = arith.constant 2 : i32
      %mul3A_97 = vector.broadcast %mul3A_96 : i32 to vector<16xi32>
      %mul3A_98 = arith.muli %get3A_95, %mul3A_97 : vector<16xi32>
      %add3A_99 = vector.broadcast %arg0 : i32 to vector<16xi32>
      %add3A_100 = arith.addi %mul3A_98, %add3A_99 : vector<16xi32>
      %swap3A_101 = arith.constant 16 : index
      %swap3A_102 = tpu.vector_load %arg12[%swap3A_101] {strides = array<i32>} : memref<80xi32, #tpu.memory_space<vmem>>, vector<16xi32>,
      tpu.vector_store %arg12[%swap3A_101], %add3A_100 {strides = array<i32>} : memref<80xi32, #tpu.memory_space<vmem>>, vector<16xi32>,
      %mul3A_103 = arith.constant 80 : i32
      %mul3A_104 = arith.muli %scan3A_69, %mul3A_103 : i32
      %add3A_105 = arith.constant 16 : i32
      %add3A_106 = arith.addi %mul3A_104, %add3A_105 : i32
      %get3A_107 = arith.index_cast %add3A_106 : i32 to index
      %get3A_108 = tpu.vector_load %arg10[%get3A_107] {strides = array<i32>} : memref<20000xi32, #tpu.memory_space<vmem>>, vector<16xi32>,
      %swap3A_109 = arith.constant 16 : index
      %swap3A_110 = tpu.vector_load %arg13[%swap3A_109] {strides = array<i32>} : memref<80xi32, #tpu.memory_space<vmem>>, vector<16xi32>,
      tpu.vector_store %arg13[%swap3A_109], %get3A_108 {strides = array<i32>} : memref<80xi32, #tpu.memory_space<vmem>>, vector<16xi32>,
      %mul3A_111 = arith.constant 80 : i32
      %mul3A_112 = arith.muli %scan3A_69, %mul3A_111 : i32
      %add3A_113 = arith.constant 32 : i32
      %add3A_114 = arith.addi %mul3A_112, %add3A_113 : i32
      %get3A_115 = arith.index_cast %add3A_114 : i32 to index
      %get3A_116 = tpu.vector_load %arg9[%get3A_115] {strides = array<i32>} : memref<20000xi32, #tpu.memory_space<vmem>>, vector<16xi32>,
      %mul3A_117 = arith.constant 2 : i32
      %mul3A_118 = vector.broadcast %mul3A_117 : i32 to vector<16xi32>
      %mul3A_119 = arith.muli %get3A_116, %mul3A_118 : vector<16xi32>
      %add3A_120 = vector.broadcast %arg0 : i32 to vector<16xi32>
      %add3A_121 = arith.addi %mul3A_119, %add3A_120 : vector<16xi32>
      %swap3A_122 = arith.constant 32 : index
      %swap3A_123 = tpu.vector_load %arg12[%swap3A_122] {strides = array<i32>} : memref<80xi32, #tpu.memory_space<vmem>>, vector<16xi32>,
      tpu.vector_store %arg12[%swap3A_122], %add3A_121 {strides = array<i32>} : memref<80xi32, #tpu.memory_space<vmem>>, vector<16xi32>,
      %mul3A_124 = arith.constant 80 : i32
      %mul3A_125 = arith.muli %scan3A_69, %mul3A_124 : i32
      %add3A_126 = arith.constant 32 : i32
      %add3A_127 = arith.addi %mul3A_125, %add3A_126 : i32
      %get3A_128 = arith.index_cast %add3A_127 : i32 to index
      %get3A_129 = tpu.vector_load %arg10[%get3A_128] {strides = array<i32>} : memref<20000xi32, #tpu.memory_space<vmem>>, vector<16xi32>,
      %swap3A_130 = arith.constant 32 : index
      %swap3A_131 = tpu.vector_load %arg13[%swap3A_130] {strides = array<i32>} : memref<80xi32, #tpu.memory_space<vmem>>, vector<16xi32>,
      tpu.vector_store %arg13[%swap3A_130], %get3A_129 {strides = array<i32>} : memref<80xi32, #tpu.memory_space<vmem>>, vector<16xi32>,
      %mul3A_132 = arith.constant 80 : i32
      %mul3A_133 = arith.muli %scan3A_69, %mul3A_132 : i32
      %add3A_134 = arith.constant 48 : i32
      %add3A_135 = arith.addi %mul3A_133, %add3A_134 : i32
      %get3A_136 = arith.index_cast %add3A_135 : i32 to index
      %get3A_137 = tpu.vector_load %arg9[%get3A_136] {strides = array<i32>} : memref<20000xi32, #tpu.memory_space<vmem>>, vector<16xi32>,
      %mul3A_138 = arith.constant 2 : i32
      %mul3A_139 = vector.broadcast %mul3A_138 : i32 to vector<16xi32>
      %mul3A_140 = arith.muli %get3A_137, %mul3A_139 : vector<16xi32>
      %add3A_141 = vector.broadcast %arg0 : i32 to vector<16xi32>
      %add3A_142 = arith.addi %mul3A_140, %add3A_141 : vector<16xi32>
      %swap3A_143 = arith.constant 48 : index
      %swap3A_144 = tpu.vector_load %arg12[%swap3A_143] {strides = array<i32>} : memref<80xi32, #tpu.memory_space<vmem>>, vector<16xi32>,
      tpu.vector_store %arg12[%swap3A_143], %add3A_142 {strides = array<i32>} : memref<80xi32, #tpu.memory_space<vmem>>, vector<16xi32>,
      %mul3A_145 = arith.constant 80 : i32
      %mul3A_146 = arith.muli %scan3A_69, %mul3A_145 : i32
      %add3A_147 = arith.constant 48 : i32
      %add3A_148 = arith.addi %mul3A_146, %add3A_147 : i32
      %get3A_149 = arith.index_cast %add3A_148 : i32 to index
      %get3A_150 = tpu.vector_load %arg10[%get3A_149] {strides = array<i32>} : memref<20000xi32, #tpu.memory_space<vmem>>, vector<16xi32>,
      %swap3A_151 = arith.constant 48 : index
      %swap3A_152 = tpu.vector_load %arg13[%swap3A_151] {strides = array<i32>} : memref<80xi32, #tpu.memory_space<vmem>>, vector<16xi32>,
      tpu.vector_store %arg13[%swap3A_151], %get3A_150 {strides = array<i32>} : memref<80xi32, #tpu.memory_space<vmem>>, vector<16xi32>,
      %mul3A_153 = arith.constant 80 : i32
      %mul3A_154 = arith.muli %scan3A_69, %mul3A_153 : i32
      %add3A_155 = arith.constant 64 : i32
      %add3A_156 = arith.addi %mul3A_154, %add3A_155 : i32
      %get3A_157 = arith.index_cast %add3A_156 : i32 to index
      %get3A_158 = tpu.vector_load %arg9[%get3A_157] {strides = array<i32>} : memref<20000xi32, #tpu.memory_space<vmem>>, vector<16xi32>,
      %mul3A_159 = arith.constant 2 : i32
      %mul3A_160 = vector.broadcast %mul3A_159 : i32 to vector<16xi32>
      %mul3A_161 = arith.muli %get3A_158, %mul3A_160 : vector<16xi32>
      %add3A_162 = vector.broadcast %arg0 : i32 to vector<16xi32>
      %add3A_163 = arith.addi %mul3A_161, %add3A_162 : vector<16xi32>
      %swap3A_164 = arith.constant 64 : index
      %swap3A_165 = tpu.vector_load %arg12[%swap3A_164] {strides = array<i32>} : memref<80xi32, #tpu.memory_space<vmem>>, vector<16xi32>,
      tpu.vector_store %arg12[%swap3A_164], %add3A_163 {strides = array<i32>} : memref<80xi32, #tpu.memory_space<vmem>>, vector<16xi32>,
      %mul3A_166 = arith.constant 80 : i32
      %mul3A_167 = arith.muli %scan3A_69, %mul3A_166 : i32
      %add3A_168 = arith.constant 64 : i32
      %add3A_169 = arith.addi %mul3A_167, %add3A_168 : i32
      %get3A_170 = arith.index_cast %add3A_169 : i32 to index
      %get3A_171 = tpu.vector_load %arg10[%get3A_170] {strides = array<i32>} : memref<20000xi32, #tpu.memory_space<vmem>>, vector<16xi32>,
      %swap3A_172 = arith.constant 64 : index
      %swap3A_173 = tpu.vector_load %arg13[%swap3A_172] {strides = array<i32>} : memref<80xi32, #tpu.memory_space<vmem>>, vector<16xi32>,
      tpu.vector_store %arg13[%swap3A_172], %get3A_171 {strides = array<i32>} : memref<80xi32, #tpu.memory_space<vmem>>, vector<16xi32>,
      %dma_start3A = arith.constant 0 : i32
      %dma_start3A_174 = arith.constant 0 : i32
      %dma_start3A_175 = tpu.memref_slice %arg2[%dma_start3A, %dma_start3A_174] : memref<20000x64xf32, #tpu.memory_space<hbm>> -> memref<20000x64xf32, #tpu.memory_space<hbm>>
      tpu.enqueue_indirect_dma source(%dma_start3A_175 : memref<20000x64xf32, #tpu.memory_space<hbm>>) target(%arg8 : memref<80x64xf32, #tpu.memory_space<vmem>>) offsets(%arg12 : memref<80xi32, #tpu.memory_space<vmem>>) semaphore(%arg14 : memref<!tpu.dma_semaphore, #tpu.memory_space<semaphore_mem>>)
      %dma_wait3A = arith.constant 0 : i32
      %dma_wait3A_176 = arith.constant 0 : i32
      %dma_wait3A_177 = tpu.memref_slice %arg2[%dma_wait3A, %dma_wait3A_176] : memref<20000x64xf32, #tpu.memory_space<hbm>> -> memref<20000x64xf32, #tpu.memory_space<hbm>>
      tpu.wait_indirect_dma semaphore(%arg14 : memref<!tpu.dma_semaphore, #tpu.memory_space<semaphore_mem>>) src(%dma_wait3A_177 : memref<20000x64xf32, #tpu.memory_space<hbm>>) dst(%arg8 : memref<80x64xf32, #tpu.memory_space<vmem>>)
      %scan3A_178 = arith.constant 0 : i32
      %scan3A_179 = arith.constant 0 : i32
      %scan3A_180 = arith.constant 80 : i32
      %scan3A_181 = arith.addi %scan3A_179, %scan3A_180 : i32
      %scan3A_182 = arith.constant 1 : i32
      %scan3A_183 = scf.for %scan3A_186 = %scan3A_179 to %scan3A_181 step %scan3A_182 iter_args(%scan3A_187 = %scan3A_178) -> (i32)  : i32 {
        %mul3A_188 = arith.constant 80 : i32
        %mul3A_189 = arith.muli %scan3A_69, %mul3A_188 : i32
        %add3A_190 = arith.addi %mul3A_189, %scan3A_186 : i32
        %broadcast_in_dim3A_191 = vector.broadcast %add3A_190 : i32 to vector<16xi32>
        %gather3A = tpu.vector_load_idx %arg11[%broadcast_in_dim3A_191] : memref<20000xf32, #tpu.memory_space<vmem>>[vector<16xi32>], vector<16xf32>,
        %get3A_192 = arith.index_cast %scan3A_186 : i32 to index
        %get3A_193 = arith.constant 0 : index
        %get3A_194 = tpu.vector_load %arg8[%get3A_192, %get3A_193] {strides = array<i32>} : memref<80x64xf32, #tpu.memory_space<vmem>>, vector<16xf32>,
        %mul3A_195 = arith.mulf %get3A_194, %gather3A : vector<16xf32>
        %swap3A_196 = arith.index_cast %scan3A_186 : i32 to index
        %swap3A_197 = arith.constant 0 : index
        %swap3A_198 = tpu.vector_load %arg8[%swap3A_196, %swap3A_197] {strides = array<i32>} : memref<80x64xf32, #tpu.memory_space<vmem>>, vector<16xf32>,
        tpu.vector_store %arg8[%swap3A_196, %swap3A_197], %mul3A_195 {strides = array<i32>} : memref<80x64xf32, #tpu.memory_space<vmem>>, vector<16xf32>,
        %get3A_199 = arith.index_cast %scan3A_186 : i32 to index
        %get3A_200 = arith.constant 16 : index
        %get3A_201 = tpu.vector_load %arg8[%get3A_199, %get3A_200] {strides = array<i32>} : memref<80x64xf32, #tpu.memory_space<vmem>>, vector<16xf32>,
        %mul3A_202 = arith.mulf %get3A_201, %gather3A : vector<16xf32>
        %swap3A_203 = arith.index_cast %scan3A_186 : i32 to index
        %swap3A_204 = arith.constant 16 : index
        %swap3A_205 = tpu.vector_load %arg8[%swap3A_203, %swap3A_204] {strides = array<i32>} : memref<80x64xf32, #tpu.memory_space<vmem>>, vector<16xf32>,
        tpu.vector_store %arg8[%swap3A_203, %swap3A_204], %mul3A_202 {strides = array<i32>} : memref<80x64xf32, #tpu.memory_space<vmem>>, vector<16xf32>,
        %get3A_206 = arith.index_cast %scan3A_186 : i32 to index
        %get3A_207 = arith.constant 32 : index
        %get3A_208 = tpu.vector_load %arg8[%get3A_206, %get3A_207] {strides = array<i32>} : memref<80x64xf32, #tpu.memory_space<vmem>>, vector<16xf32>,
        %mul3A_209 = arith.mulf %get3A_208, %gather3A : vector<16xf32>
        %swap3A_210 = arith.index_cast %scan3A_186 : i32 to index
        %swap3A_211 = arith.constant 32 : index
        %swap3A_212 = tpu.vector_load %arg8[%swap3A_210, %swap3A_211] {strides = array<i32>} : memref<80x64xf32, #tpu.memory_space<vmem>>, vector<16xf32>,
        tpu.vector_store %arg8[%swap3A_210, %swap3A_211], %mul3A_209 {strides = array<i32>} : memref<80x64xf32, #tpu.memory_space<vmem>>, vector<16xf32>,
        %get3A_213 = arith.index_cast %scan3A_186 : i32 to index
        %get3A_214 = arith.constant 48 : index
        %get3A_215 = tpu.vector_load %arg8[%get3A_213, %get3A_214] {strides = array<i32>} : memref<80x64xf32, #tpu.memory_space<vmem>>, vector<16xf32>,
        %mul3A_216 = arith.mulf %get3A_215, %gather3A : vector<16xf32>
        %swap3A_217 = arith.index_cast %scan3A_186 : i32 to index
        %swap3A_218 = arith.constant 48 : index
        %swap3A_219 = tpu.vector_load %arg8[%swap3A_217, %swap3A_218] {strides = array<i32>} : memref<80x64xf32, #tpu.memory_space<vmem>>, vector<16xf32>,
        tpu.vector_store %arg8[%swap3A_217, %swap3A_218], %mul3A_216 {strides = array<i32>} : memref<80x64xf32, #tpu.memory_space<vmem>>, vector<16xf32>,
        %scan3A_220 = arith.constant 0 : i32
        scf.yield %scan3A_220 : i32
      }
      %scan3A_184 = arith.constant 80 : i32
      "tpu.region"() ({
        %run_scoped3A = tpu.sem_alloc : memref<!tpu.dma_semaphore, #tpu.memory_space<semaphore_mem>>
        %dma_start3A_186 = arith.constant 0 : i32
        %dma_start3A_187 = arith.constant 0 : i32
        %dma_start3A_188 = tpu.memref_slice %arg7[%dma_start3A_186, %dma_start3A_187] : memref<10000x64xf32, #tpu.memory_space<vmem_shared>> -> memref<10000x64xf32, #tpu.memory_space<vmem_shared>>
        tpu.enqueue_indirect_dma source(%arg8 : memref<80x64xf32, #tpu.memory_space<vmem>>) target(%dma_start3A_188 : memref<10000x64xf32, #tpu.memory_space<vmem_shared>>) offsets(%arg13 : memref<80xi32, #tpu.memory_space<vmem>>) semaphore(%run_scoped3A : memref<!tpu.dma_semaphore, #tpu.memory_space<semaphore_mem>>) {add = true}
        %dma_wait3A_189 = arith.constant 0 : i32
        %dma_wait3A_190 = arith.constant 0 : i32
        %dma_wait3A_191 = tpu.memref_slice %arg7[%dma_wait3A_189, %dma_wait3A_190] : memref<10000x64xf32, #tpu.memory_space<vmem_shared>> -> memref<10000x64xf32, #tpu.memory_space<vmem_shared>>
        tpu.wait_indirect_dma semaphore(%run_scoped3A : memref<!tpu.dma_semaphore, #tpu.memory_space<semaphore_mem>>) src(%arg8 : memref<80x64xf32, #tpu.memory_space<vmem>>) dst(%dma_wait3A_191 : memref<10000x64xf32, #tpu.memory_space<vmem_shared>>)
        tpu.yield
      }) : () -> ()
      %scan3A_185 = arith.constant 0 : i32
      scf.yield %scan3A_185 : i32
    }
    %scan3A_35 = arith.constant 250 : i32
    %barrier3A_36 = arith.constant 0 : index
    tpu.barrier barrier_id(%barrier3A_36)
    %add3A_37 = arith.constant 0 : i32
    %add3A_38 = arith.addi %mul3A_13, %add3A_37 : i32
    %add3A_39 = arith.constant 0 : i32
    %add3A_40 = arith.addi %mul3A_13, %add3A_39 : i32
    "tpu.region"() ({
      %run_scoped3A = tpu.sem_alloc : memref<!tpu.dma_semaphore, #tpu.memory_space<semaphore_mem>>
      %dma_start3A = arith.constant 0 : i32
      %dma_start3A_69 = tpu.memref_slice %arg6[%arg0, %add3A_40, %dma_start3A] : memref<2x10000x64xf32, #tpu.memory_space<hbm>> -> memref<1x80x64xf32, #tpu.memory_space<hbm>>
      %dma_start3A_70 = tpu.memref_squeeze %dma_start3A_69 : memref<1x80x64xf32, #tpu.memory_space<hbm>> -> memref<80x64xf32, #tpu.memory_space<hbm>>
      %dma_start3A_71 = arith.constant 0 : i32
      %dma_start3A_72 = tpu.memref_slice %arg7[%add3A_38, %dma_start3A_71] : memref<10000x64xf32, #tpu.memory_space<vmem_shared>> -> memref<80x64xf32, #tpu.memory_space<vmem_shared>>
      tpu.enqueue_dma source(%dma_start3A_72 : memref<80x64xf32, #tpu.memory_space<vmem_shared>>) target(%dma_start3A_70 : memref<80x64xf32, #tpu.memory_space<hbm>>) target_semaphore(%run_scoped3A : memref<!tpu.dma_semaphore, #tpu.memory_space<semaphore_mem>>)
      %dma_wait3A = arith.constant 0 : i32
      %dma_wait3A_73 = tpu.memref_slice %arg6[%arg0, %add3A_40, %dma_wait3A] : memref<2x10000x64xf32, #tpu.memory_space<hbm>> -> memref<1x80x64xf32, #tpu.memory_space<hbm>>
      %dma_wait3A_74 = tpu.memref_squeeze %dma_wait3A_73 : memref<1x80x64xf32, #tpu.memory_space<hbm>> -> memref<80x64xf32, #tpu.memory_space<hbm>>
      %dma_wait3A_75 = arith.constant 0 : i32
      %dma_wait3A_76 = tpu.memref_slice %arg7[%add3A_38, %dma_wait3A_75] : memref<10000x64xf32, #tpu.memory_space<vmem_shared>> -> memref<80x64xf32, #tpu.memory_space<vmem_shared>>
      tpu.wait_dma2 semaphore(%run_scoped3A : memref<!tpu.dma_semaphore, #tpu.memory_space<semaphore_mem>>) src(%dma_wait3A_76 : memref<80x64xf32, #tpu.memory_space<vmem_shared>>) dst(%dma_wait3A_74 : memref<80x64xf32, #tpu.memory_space<hbm>>)
      tpu.yield
    }) : () -> ()
    %add3A_41 = arith.constant 80 : i32
    %add3A_42 = arith.addi %mul3A_13, %add3A_41 : i32
    %add3A_43 = arith.constant 80 : i32
    %add3A_44 = arith.addi %mul3A_13, %add3A_43 : i32
    "tpu.region"() ({
      %run_scoped3A = tpu.sem_alloc : memref<!tpu.dma_semaphore, #tpu.memory_space<semaphore_mem>>
      %dma_start3A = arith.constant 0 : i32
      %dma_start3A_69 = tpu.memref_slice %arg6[%arg0, %add3A_44, %dma_start3A] : memref<2x10000x64xf32, #tpu.memory_space<hbm>> -> memref<1x80x64xf32, #tpu.memory_space<hbm>>
      %dma_start3A_70 = tpu.memref_squeeze %dma_start3A_69 : memref<1x80x64xf32, #tpu.memory_space<hbm>> -> memref<80x64xf32, #tpu.memory_space<hbm>>
      %dma_start3A_71 = arith.constant 0 : i32
      %dma_start3A_72 = tpu.memref_slice %arg7[%add3A_42, %dma_start3A_71] : memref<10000x64xf32, #tpu.memory_space<vmem_shared>> -> memref<80x64xf32, #tpu.memory_space<vmem_shared>>
      tpu.enqueue_dma source(%dma_start3A_72 : memref<80x64xf32, #tpu.memory_space<vmem_shared>>) target(%dma_start3A_70 : memref<80x64xf32, #tpu.memory_space<hbm>>) target_semaphore(%run_scoped3A : memref<!tpu.dma_semaphore, #tpu.memory_space<semaphore_mem>>)
      %dma_wait3A = arith.constant 0 : i32
      %dma_wait3A_73 = tpu.memref_slice %arg6[%arg0, %add3A_44, %dma_wait3A] : memref<2x10000x64xf32, #tpu.memory_space<hbm>> -> memref<1x80x64xf32, #tpu.memory_space<hbm>>
      %dma_wait3A_74 = tpu.memref_squeeze %dma_wait3A_73 : memref<1x80x64xf32, #tpu.memory_space<hbm>> -> memref<80x64xf32, #tpu.memory_space<hbm>>
      %dma_wait3A_75 = arith.constant 0 : i32
      %dma_wait3A_76 = tpu.memref_slice %arg7[%add3A_42, %dma_wait3A_75] : memref<10000x64xf32, #tpu.memory_space<vmem_shared>> -> memref<80x64xf32, #tpu.memory_space<vmem_shared>>
      tpu.wait_dma2 semaphore(%run_scoped3A : memref<!tpu.dma_semaphore, #tpu.memory_space<semaphore_mem>>) src(%dma_wait3A_76 : memref<80x64xf32, #tpu.memory_space<vmem_shared>>) dst(%dma_wait3A_74 : memref<80x64xf32, #tpu.memory_space<hbm>>)
      tpu.yield
    }) : () -> ()
    %add3A_45 = arith.constant 160 : i32
    %add3A_46 = arith.addi %mul3A_13, %add3A_45 : i32
    %add3A_47 = arith.constant 160 : i32
    %add3A_48 = arith.addi %mul3A_13, %add3A_47 : i32
    "tpu.region"() ({
      %run_scoped3A = tpu.sem_alloc : memref<!tpu.dma_semaphore, #tpu.memory_space<semaphore_mem>>
      %dma_start3A = arith.constant 0 : i32
      %dma_start3A_69 = tpu.memref_slice %arg6[%arg0, %add3A_48, %dma_start3A] : memref<2x10000x64xf32, #tpu.memory_space<hbm>> -> memref<1x80x64xf32, #tpu.memory_space<hbm>>
      %dma_start3A_70 = tpu.memref_squeeze %dma_start3A_69 : memref<1x80x64xf32, #tpu.memory_space<hbm>> -> memref<80x64xf32, #tpu.memory_space<hbm>>
      %dma_start3A_71 = arith.constant 0 : i32
      %dma_start3A_72 = tpu.memref_slice %arg7[%add3A_46, %dma_start3A_71] : memref<10000x64xf32, #tpu.memory_space<vmem_shared>> -> memref<80x64xf32, #tpu.memory_space<vmem_shared>>
      tpu.enqueue_dma source(%dma_start3A_72 : memref<80x64xf32, #tpu.memory_space<vmem_shared>>) target(%dma_start3A_70 : memref<80x64xf32, #tpu.memory_space<hbm>>) target_semaphore(%run_scoped3A : memref<!tpu.dma_semaphore, #tpu.memory_space<semaphore_mem>>)
      %dma_wait3A = arith.constant 0 : i32
      %dma_wait3A_73 = tpu.memref_slice %arg6[%arg0, %add3A_48, %dma_wait3A] : memref<2x10000x64xf32, #tpu.memory_space<hbm>> -> memref<1x80x64xf32, #tpu.memory_space<hbm>>
      %dma_wait3A_74 = tpu.memref_squeeze %dma_wait3A_73 : memref<1x80x64xf32, #tpu.memory_space<hbm>> -> memref<80x64xf32, #tpu.memory_space<hbm>>
      %dma_wait3A_75 = arith.constant 0 : i32
      %dma_wait3A_76 = tpu.memref_slice %arg7[%add3A_46, %dma_wait3A_75] : memref<10000x64xf32, #tpu.memory_space<vmem_shared>> -> memref<80x64xf32, #tpu.memory_space<vmem_shared>>
      tpu.wait_dma2 semaphore(%run_scoped3A : memref<!tpu.dma_semaphore, #tpu.memory_space<semaphore_mem>>) src(%dma_wait3A_76 : memref<80x64xf32, #tpu.memory_space<vmem_shared>>) dst(%dma_wait3A_74 : memref<80x64xf32, #tpu.memory_space<hbm>>)
      tpu.yield
    }) : () -> ()
    %add3A_49 = arith.constant 240 : i32
    %add3A_50 = arith.addi %mul3A_13, %add3A_49 : i32
    %add3A_51 = arith.constant 240 : i32
    %add3A_52 = arith.addi %mul3A_13, %add3A_51 : i32
    "tpu.region"() ({
      %run_scoped3A = tpu.sem_alloc : memref<!tpu.dma_semaphore, #tpu.memory_space<semaphore_mem>>
      %dma_start3A = arith.constant 0 : i32
      %dma_start3A_69 = tpu.memref_slice %arg6[%arg0, %add3A_52, %dma_start3A] : memref<2x10000x64xf32, #tpu.memory_space<hbm>> -> memref<1x80x64xf32, #tpu.memory_space<hbm>>
      %dma_start3A_70 = tpu.memref_squeeze %dma_start3A_69 : memref<1x80x64xf32, #tpu.memory_space<hbm>> -> memref<80x64xf32, #tpu.memory_space<hbm>>
      %dma_start3A_71 = arith.constant 0 : i32
      %dma_start3A_72 = tpu.memref_slice %arg7[%add3A_50, %dma_start3A_71] : memref<10000x64xf32, #tpu.memory_space<vmem_shared>> -> memref<80x64xf32, #tpu.memory_space<vmem_shared>>
      tpu.enqueue_dma source(%dma_start3A_72 : memref<80x64xf32, #tpu.memory_space<vmem_shared>>) target(%dma_start3A_70 : memref<80x64xf32, #tpu.memory_space<hbm>>) target_semaphore(%run_scoped3A : memref<!tpu.dma_semaphore, #tpu.memory_space<semaphore_mem>>)
      %dma_wait3A = arith.constant 0 : i32
      %dma_wait3A_73 = tpu.memref_slice %arg6[%arg0, %add3A_52, %dma_wait3A] : memref<2x10000x64xf32, #tpu.memory_space<hbm>> -> memref<1x80x64xf32, #tpu.memory_space<hbm>>
      %dma_wait3A_74 = tpu.memref_squeeze %dma_wait3A_73 : memref<1x80x64xf32, #tpu.memory_space<hbm>> -> memref<80x64xf32, #tpu.memory_space<hbm>>
      %dma_wait3A_75 = arith.constant 0 : i32
      %dma_wait3A_76 = tpu.memref_slice %arg7[%add3A_50, %dma_wait3A_75] : memref<10000x64xf32, #tpu.memory_space<vmem_shared>> -> memref<80x64xf32, #tpu.memory_space<vmem_shared>>
      tpu.wait_dma2 semaphore(%run_scoped3A : memref<!tpu.dma_semaphore, #tpu.memory_space<semaphore_mem>>) src(%dma_wait3A_76 : memref<80x64xf32, #tpu.memory_space<vmem_shared>>) dst(%dma_wait3A_74 : memref<80x64xf32, #tpu.memory_space<hbm>>)
      tpu.yield
    }) : () -> ()
    %add3A_53 = arith.constant 320 : i32
    %add3A_54 = arith.addi %mul3A_13, %add3A_53 : i32
    %add3A_55 = arith.constant 320 : i32
    %add3A_56 = arith.addi %mul3A_13, %add3A_55 : i32
    "tpu.region"() ({
      %run_scoped3A = tpu.sem_alloc : memref<!tpu.dma_semaphore, #tpu.memory_space<semaphore_mem>>
      %dma_start3A = arith.constant 0 : i32
      %dma_start3A_69 = tpu.memref_slice %arg6[%arg0, %add3A_56, %dma_start3A] : memref<2x10000x64xf32, #tpu.memory_space<hbm>> -> memref<1x80x64xf32, #tpu.memory_space<hbm>>
      %dma_start3A_70 = tpu.memref_squeeze %dma_start3A_69 : memref<1x80x64xf32, #tpu.memory_space<hbm>> -> memref<80x64xf32, #tpu.memory_space<hbm>>
      %dma_start3A_71 = arith.constant 0 : i32
      %dma_start3A_72 = tpu.memref_slice %arg7[%add3A_54, %dma_start3A_71] : memref<10000x64xf32, #tpu.memory_space<vmem_shared>> -> memref<80x64xf32, #tpu.memory_space<vmem_shared>>
      tpu.enqueue_dma source(%dma_start3A_72 : memref<80x64xf32, #tpu.memory_space<vmem_shared>>) target(%dma_start3A_70 : memref<80x64xf32, #tpu.memory_space<hbm>>) target_semaphore(%run_scoped3A : memref<!tpu.dma_semaphore, #tpu.memory_space<semaphore_mem>>)
      %dma_wait3A = arith.constant 0 : i32
      %dma_wait3A_73 = tpu.memref_slice %arg6[%arg0, %add3A_56, %dma_wait3A] : memref<2x10000x64xf32, #tpu.memory_space<hbm>> -> memref<1x80x64xf32, #tpu.memory_space<hbm>>
      %dma_wait3A_74 = tpu.memref_squeeze %dma_wait3A_73 : memref<1x80x64xf32, #tpu.memory_space<hbm>> -> memref<80x64xf32, #tpu.memory_space<hbm>>
      %dma_wait3A_75 = arith.constant 0 : i32
      %dma_wait3A_76 = tpu.memref_slice %arg7[%add3A_54, %dma_wait3A_75] : memref<10000x64xf32, #tpu.memory_space<vmem_shared>> -> memref<80x64xf32, #tpu.memory_space<vmem_shared>>
      tpu.wait_dma2 semaphore(%run_scoped3A : memref<!tpu.dma_semaphore, #tpu.memory_space<semaphore_mem>>) src(%dma_wait3A_76 : memref<80x64xf32, #tpu.memory_space<vmem_shared>>) dst(%dma_wait3A_74 : memref<80x64xf32, #tpu.memory_space<hbm>>)
      tpu.yield
    }) : () -> ()
    %add3A_57 = arith.constant 400 : i32
    %add3A_58 = arith.addi %mul3A_13, %add3A_57 : i32
    %add3A_59 = arith.constant 400 : i32
    %add3A_60 = arith.addi %mul3A_13, %add3A_59 : i32
    "tpu.region"() ({
      %run_scoped3A = tpu.sem_alloc : memref<!tpu.dma_semaphore, #tpu.memory_space<semaphore_mem>>
      %dma_start3A = arith.constant 0 : i32
      %dma_start3A_69 = tpu.memref_slice %arg6[%arg0, %add3A_60, %dma_start3A] : memref<2x10000x64xf32, #tpu.memory_space<hbm>> -> memref<1x80x64xf32, #tpu.memory_space<hbm>>
      %dma_start3A_70 = tpu.memref_squeeze %dma_start3A_69 : memref<1x80x64xf32, #tpu.memory_space<hbm>> -> memref<80x64xf32, #tpu.memory_space<hbm>>
      %dma_start3A_71 = arith.constant 0 : i32
      %dma_start3A_72 = tpu.memref_slice %arg7[%add3A_58, %dma_start3A_71] : memref<10000x64xf32, #tpu.memory_space<vmem_shared>> -> memref<80x64xf32, #tpu.memory_space<vmem_shared>>
      tpu.enqueue_dma source(%dma_start3A_72 : memref<80x64xf32, #tpu.memory_space<vmem_shared>>) target(%dma_start3A_70 : memref<80x64xf32, #tpu.memory_space<hbm>>) target_semaphore(%run_scoped3A : memref<!tpu.dma_semaphore, #tpu.memory_space<semaphore_mem>>)
      %dma_wait3A = arith.constant 0 : i32
      %dma_wait3A_73 = tpu.memref_slice %arg6[%arg0, %add3A_60, %dma_wait3A] : memref<2x10000x64xf32, #tpu.memory_space<hbm>> -> memref<1x80x64xf32, #tpu.memory_space<hbm>>
      %dma_wait3A_74 = tpu.memref_squeeze %dma_wait3A_73 : memref<1x80x64xf32, #tpu.memory_space<hbm>> -> memref<80x64xf32, #tpu.memory_space<hbm>>
      %dma_wait3A_75 = arith.constant 0 : i32
      %dma_wait3A_76 = tpu.memref_slice %arg7[%add3A_58, %dma_wait3A_75] : memref<10000x64xf32, #tpu.memory_space<vmem_shared>> -> memref<80x64xf32, #tpu.memory_space<vmem_shared>>
      tpu.wait_dma2 semaphore(%run_scoped3A : memref<!tpu.dma_semaphore, #tpu.memory_space<semaphore_mem>>) src(%dma_wait3A_76 : memref<80x64xf32, #tpu.memory_space<vmem_shared>>) dst(%dma_wait3A_74 : memref<80x64xf32, #tpu.memory_space<hbm>>)
      tpu.yield
    }) : () -> ()
    %add3A_61 = arith.constant 480 : i32
    %add3A_62 = arith.addi %mul3A_13, %add3A_61 : i32
    %add3A_63 = arith.constant 480 : i32
    %add3A_64 = arith.addi %mul3A_13, %add3A_63 : i32
    "tpu.region"() ({
      %run_scoped3A = tpu.sem_alloc : memref<!tpu.dma_semaphore, #tpu.memory_space<semaphore_mem>>
      %dma_start3A = arith.constant 0 : i32
      %dma_start3A_69 = tpu.memref_slice %arg6[%arg0, %add3A_64, %dma_start3A] : memref<2x10000x64xf32, #tpu.memory_space<hbm>> -> memref<1x80x64xf32, #tpu.memory_space<hbm>>
      %dma_start3A_70 = tpu.memref_squeeze %dma_start3A_69 : memref<1x80x64xf32, #tpu.memory_space<hbm>> -> memref<80x64xf32, #tpu.memory_space<hbm>>
      %dma_start3A_71 = arith.constant 0 : i32
      %dma_start3A_72 = tpu.memref_slice %arg7[%add3A_62, %dma_start3A_71] : memref<10000x64xf32, #tpu.memory_space<vmem_shared>> -> memref<80x64xf32, #tpu.memory_space<vmem_shared>>
      tpu.enqueue_dma source(%dma_start3A_72 : memref<80x64xf32, #tpu.memory_space<vmem_shared>>) target(%dma_start3A_70 : memref<80x64xf32, #tpu.memory_space<hbm>>) target_semaphore(%run_scoped3A : memref<!tpu.dma_semaphore, #tpu.memory_space<semaphore_mem>>)
      %dma_wait3A = arith.constant 0 : i32
      %dma_wait3A_73 = tpu.memref_slice %arg6[%arg0, %add3A_64, %dma_wait3A] : memref<2x10000x64xf32, #tpu.memory_space<hbm>> -> memref<1x80x64xf32, #tpu.memory_space<hbm>>
      %dma_wait3A_74 = tpu.memref_squeeze %dma_wait3A_73 : memref<1x80x64xf32, #tpu.memory_space<hbm>> -> memref<80x64xf32, #tpu.memory_space<hbm>>
      %dma_wait3A_75 = arith.constant 0 : i32
      %dma_wait3A_76 = tpu.memref_slice %arg7[%add3A_62, %dma_wait3A_75] : memref<10000x64xf32, #tpu.memory_space<vmem_shared>> -> memref<80x64xf32, #tpu.memory_space<vmem_shared>>
      tpu.wait_dma2 semaphore(%run_scoped3A : memref<!tpu.dma_semaphore, #tpu.memory_space<semaphore_mem>>) src(%dma_wait3A_76 : memref<80x64xf32, #tpu.memory_space<vmem_shared>>) dst(%dma_wait3A_74 : memref<80x64xf32, #tpu.memory_space<hbm>>)
      tpu.yield
    }) : () -> ()
    %add3A_65 = arith.constant 560 : i32
    %add3A_66 = arith.addi %mul3A_13, %add3A_65 : i32
    %add3A_67 = arith.constant 560 : i32
    %add3A_68 = arith.addi %mul3A_13, %add3A_67 : i32
    "tpu.region"() ({
      %run_scoped3A = tpu.sem_alloc : memref<!tpu.dma_semaphore, #tpu.memory_space<semaphore_mem>>
      %dma_start3A = arith.constant 0 : i32
      %dma_start3A_69 = tpu.memref_slice %arg6[%arg0, %add3A_68, %dma_start3A] : memref<2x10000x64xf32, #tpu.memory_space<hbm>> -> memref<1x65x64xf32, #tpu.memory_space<hbm>>
      %dma_start3A_70 = tpu.memref_squeeze %dma_start3A_69 : memref<1x65x64xf32, #tpu.memory_space<hbm>> -> memref<65x64xf32, #tpu.memory_space<hbm>>
      %dma_start3A_71 = arith.constant 0 : i32
      %dma_start3A_72 = tpu.memref_slice %arg7[%add3A_66, %dma_start3A_71] : memref<10000x64xf32, #tpu.memory_space<vmem_shared>> -> memref<65x64xf32, #tpu.memory_space<vmem_shared>>
      tpu.enqueue_dma source(%dma_start3A_72 : memref<65x64xf32, #tpu.memory_space<vmem_shared>>) target(%dma_start3A_70 : memref<65x64xf32, #tpu.memory_space<hbm>>) target_semaphore(%run_scoped3A : memref<!tpu.dma_semaphore, #tpu.memory_space<semaphore_mem>>)
      %dma_wait3A = arith.constant 0 : i32
      %dma_wait3A_73 = tpu.memref_slice %arg6[%arg0, %add3A_68, %dma_wait3A] : memref<2x10000x64xf32, #tpu.memory_space<hbm>> -> memref<1x65x64xf32, #tpu.memory_space<hbm>>
      %dma_wait3A_74 = tpu.memref_squeeze %dma_wait3A_73 : memref<1x65x64xf32, #tpu.memory_space<hbm>> -> memref<65x64xf32, #tpu.memory_space<hbm>>
      %dma_wait3A_75 = arith.constant 0 : i32
      %dma_wait3A_76 = tpu.memref_slice %arg7[%add3A_66, %dma_wait3A_75] : memref<10000x64xf32, #tpu.memory_space<vmem_shared>> -> memref<65x64xf32, #tpu.memory_space<vmem_shared>>
      tpu.wait_dma2 semaphore(%run_scoped3A : memref<!tpu.dma_semaphore, #tpu.memory_space<semaphore_mem>>) src(%dma_wait3A_76 : memref<65x64xf32, #tpu.memory_space<vmem_shared>>) dst(%dma_wait3A_74 : memref<65x64xf32, #tpu.memory_space<hbm>>)
      tpu.yield
    }) : () -> ()
    return
  }
}

module attributes {stable_mosaic.version = 14 : i64} {
  func.func @_tc_body(%arg0: i32, %arg1: memref<1000x64xf32, #tpu.memory_space<vmem>>, %arg2: memref<1000x64xf32, #tpu.memory_space<vmem>>, %arg3: memref<64x128xf32, #tpu.memory_space<vmem>>, %arg4: memref<64x128xf32, #tpu.memory_space<vmem>>, %arg5: memref<1000x128xf32, #tpu.memory_space<vmem>>) attributes {dimension_semantics = [#tpu.dimension_semantics<arbitrary>], iteration_bounds = array<i64: 10>, scalar_prefetch = 0 : i64, scratch_operands = 0 : i64, tpu.core_type = #tpu.core_type<tc>, window_params = [{transform_indices = @transform_0, window_bounds = array<i64: 1000, 64>}, {transform_indices = @transform_1, window_bounds = array<i64: 1000, 64>}, {pipeline_mode = #tpu.pipeline_mode<synchronous>, transform_indices = @transform_2, window_bounds = array<i64: 64, 128>}, {pipeline_mode = #tpu.pipeline_mode<synchronous>, transform_indices = @transform_3, window_bounds = array<i64: 64, 128>}, {transform_indices = @transform_4, window_bounds = array<i64: 1000, 128>}]} {
    %get3A = arith.constant 0 : index
    %get3A_0 = arith.constant 0 : index
    %get3A_1 = vector.load %arg1[%get3A, %get3A_0] : memref<1000x64xf32, #tpu.memory_space<vmem>>, vector<1000x64xf32>
    %get3A_2 = arith.constant 0 : index
    %get3A_3 = arith.constant 0 : index
    %get3A_4 = vector.load %arg3[%get3A_2, %get3A_3] : memref<64x128xf32, #tpu.memory_space<vmem>>, vector<64x128xf32>
    %dot_general3A = arith.constant dense<0.000000e+00> : vector<1000x128xf32>
    %dot_general3A_5 = tpu.matmul %get3A_1, %get3A_4, %dot_general3A {dimension_numbers = #tpu.dot_dimension_numbers<[1], [0], [0], [1], [0, 0, 1, 1], [], []>, transpose_lhs_hint = false} : vector<1000x64xf32>, vector<64x128xf32>, vector<1000x128xf32> -> vector<1000x128xf32>
    %get3A_6 = arith.constant 0 : index
    %get3A_7 = arith.constant 0 : index
    %get3A_8 = vector.load %arg2[%get3A_6, %get3A_7] : memref<1000x64xf32, #tpu.memory_space<vmem>>, vector<1000x64xf32>
    %get3A_9 = arith.constant 0 : index
    %get3A_10 = arith.constant 0 : index
    %get3A_11 = vector.load %arg4[%get3A_9, %get3A_10] : memref<64x128xf32, #tpu.memory_space<vmem>>, vector<64x128xf32>
    %dot_general3A_12 = arith.constant dense<0.000000e+00> : vector<1000x128xf32>
    %dot_general3A_13 = tpu.matmul %get3A_8, %get3A_11, %dot_general3A_12 {dimension_numbers = #tpu.dot_dimension_numbers<[1], [0], [0], [1], [0, 0, 1, 1], [], []>, transpose_lhs_hint = false} : vector<1000x64xf32>, vector<64x128xf32>, vector<1000x128xf32> -> vector<1000x128xf32>
    %add3A = arith.addf %dot_general3A_5, %dot_general3A_13 : vector<1000x128xf32>
    %max3A = arith.constant 0.000000e+00 : f32
    %max3A_14 = vector.broadcast %max3A : f32 to vector<1000x128xf32>
    %max3A_15 = arith.maximumf %add3A, %max3A_14 : vector<1000x128xf32>
    %swap3A = arith.constant 0 : index
    %swap3A_16 = arith.constant 0 : index
    %swap3A_17 = vector.load %arg5[%swap3A, %swap3A_16] : memref<1000x128xf32, #tpu.memory_space<vmem>>, vector<1000x128xf32>
    tpu.vector_store %arg5[%swap3A, %swap3A_16], %max3A_15 {strides = array<i32>} : memref<1000x128xf32, #tpu.memory_space<vmem>>, vector<1000x128xf32>,
    return
  }
  func.func @transform_0(%arg0: i32) -> (i32, i32) {
    %c0_i32 = arith.constant 0 : i32
    %c0_i32_0 = arith.constant 0 : i32
    return %arg0, %c0_i32 : i32, i32
  }
  func.func @transform_1(%arg0: i32) -> (i32, i32) {
    %c0_i32 = arith.constant 0 : i32
    %c0_i32_0 = arith.constant 0 : i32
    return %arg0, %c0_i32 : i32, i32
  }
  func.func @transform_2(%arg0: i32) -> (i32, i32) {
    %c0_i32 = arith.constant 0 : i32
    %c0_i32_0 = arith.constant 0 : i32
    %c0_i32_1 = arith.constant 0 : i32
    return %c0_i32, %c0_i32_0 : i32, i32
  }
  func.func @transform_3(%arg0: i32) -> (i32, i32) {
    %c0_i32 = arith.constant 0 : i32
    %c0_i32_0 = arith.constant 0 : i32
    %c0_i32_1 = arith.constant 0 : i32
    return %c0_i32, %c0_i32_0 : i32, i32
  }
  func.func @transform_4(%arg0: i32) -> (i32, i32) {
    %c0_i32 = arith.constant 0 : i32
    %c0_i32_0 = arith.constant 0 : i32
    return %arg0, %c0_i32 : i32, i32
  }
}

</mosaic_0001>

<sc_bundles>
// kernel: kernel.4.cloned.1.call-start
scs
__scs_entry_jumppad:
0x0: {  	(pc) =	sbr.rel $0x88, $3  }
0x1: {  	(tag) =	ssettag $0x0;
	lr =	simm.s32 $0x1  }
0x2: {  	[smem:$0x3F9C] =	sst lr;
	_ =	strace $0xD0000000  }
0x3: {  	_ = 	snop  }
0x4: {  	_ = 	snop  }
0x5: {  	_ = 	snop  }
0x6: {  	_ = 	snop  }
0x7: {  	_ = 	snop  }
__scs_overlays_trampoline_lowered:
0x8: {  	[smem:$0x3FAB] =	sst s0  }
0x9: {  	[smem:$0x3FAC] =	sst s1  }
0xa: {  	[smem:$0x3FAD] =	sst s2  }
0xb: {  	[smem:$0x3FAE] =	sst s3  }
0xc: {  	[smem:$0x3FAF] =	sst s4  }
0xd: {  	[smem:$0x3FB0] =	sst s5  }
0xe: {  	[smem:$0x3FB1] =	sst s6  }
0xf: {  	[smem:$0x3FB2] =	sst s7  }
0x10: {  	[smem:$0x3FB3] =	sst s8  }
0x11: {  	[smem:$0x3FB4] =	sst s9;
	s0 =	simm.s32 @!p0 $0x0  }
0x12: {  	s1 =	sld [smem:$0x3F9A];
	s0 =	simm.s32 @p0 $0x1  }
0x13: {  	[smem:$0x3FB5] =	sst s0;
	s0 =	simm.s32 @!p1 $0x0  }
0x14: {  	s2 =	sld [smem:$0x3F99];
	s0 =	simm.s32 @p1 $0x1  }
0x15: {  	[smem:$0x3FB6] =	sst s0;
	s0 =	simm.s32 @!p2 $0x0  }
0x16: {  	s3 =	sld [smem:$0x3FDB];
	s0 =	simm.s32 @p2 $0x1  }
0x17: {  	s4 =	simm.s32 $0x1BF5;
	[smem:$0x3FB8] =	sst s0  }
0x18: {  	s0 =	sld [smem:$0x3F9B];
	_ =	swait.ge [sflag:s4], $0x0  }
0x19: {  	s7 =	sld [smem:$0x3F9C]  }
0x1a: {  	s8 =	sadd.s32 $0xFFFFE003, lr  }
0x1b: {  	s9 =	sadd.s32 $0xFFFFFEF7, lr;
	s5 =	simm.s32 $0xFFFFFFFF;
	p2 =	slt.u32 s8, $0xFFFFF086  }
0x1c: {  	p1 =	slt.u32 s9, $0xF7A;
	s5 =	simm.s32 @!p2 $0x0  }
0x1d: {  	s5 =	simm.s32 @p1 $0x1;
	p0 =	seq.s32 s7, s2  }
0x1e: {  	s7 =	smul.u32 @!p0 $0xF7A, s2;
	p2 =	seq.s32 @!p0 s5, $0x0  }
0x1f: {  	s9 =	smul.u32 $0xF7A, s1;
	s8 =	simm.s32 @!p0 $0x1BF5;
	p2 =	por !p2, p0  }
0x20: {  	[sflag:s8] =	ssyncset.s32 @!p0 $0xFFFFF086;
	s6 =	sadd.s32 @!p0 s3, s7;
	s7 =	simm.s32 @!p0 $0x108  }
0x21: {  	s3 =	sadd.s32 s3, s9;
	s6 =	sadd.s32 @!p0 $0x88, s6;
	s7 =	simm.s32 @p2 $0x1082  }
0x22: {  	[simem:s7], [sflag:s8] =	dma.local @!p0 [hbm:s6], $0xF7A  }
0x23: {  	s9 =	sor.u32 $0xD0000000, s2;
	s6 =	simm.s32 $0x108;
	_ =	swait.ge @!p0 [sflag:s8], $0x0  }
0x24: {  	s3 =	sadd.s32 $0x88, s3;
	s6 =	simm.s32 @!p1 $0x1082;
	[sflag:s4] =	ssyncset.s32 $0xFFFFF086  }
0x25: {  	[simem:s6], [sflag:s4] =	dma.local [hbm:s3], $0xF7A  }
0x26: {  	[smem:$0x3F9C] =	sst s1;
	(tag) =	ssettag s2;
	_ =	strace s9  }
0x27: {  	s1 =	sld [smem:$0x3FAC]  }
0x28: {  	s2 =	sld [smem:$0x3FAD]  }
0x29: {  	s4 =	sld [smem:$0x3FAF]  }
0x2a: {  	p0 =	seq.s32 s5, $0x0;
	s5 =	sld [smem:$0x3FB0]  }
0x2b: {  	s6 =	sld [smem:$0x3FB1]  }
0x2c: {  	s7 =	sld [smem:$0x3FB2]  }
0x2d: {  	s3 =	simm.s32 $0x108;
	s8 =	sld [smem:$0x3FB3]  }
0x2e: {  	s3 =	simm.s32 @!p0 $0x1082;
	s9 =	sld [smem:$0x3FB4]  }
0x2f: {  	lr =	sadd.s32 s0, s3;
	s0 =	sld [smem:$0x3FAB]  }
0x30: {  	s3 =	sld [smem:$0x3FAE]  }
0x31: {  	[smem:$0x3FB7] =	sst s10  }
0x32: {  	s10 =	sld [smem:$0x3FB5];
	_ =	sdelay $0x3  }
0x33: {  	p0 =	seq.s32 s10, $0x1;
	s10 =	sld [smem:$0x3FB7];
	_ =	sdelay $0x3  }
0x34: {  	[smem:$0x3FB7] =	sst s10  }
0x35: {  	s10 =	sld [smem:$0x3FB6];
	_ =	sdelay $0x3  }
0x36: {  	p1 =	seq.s32 s10, $0x1;
	s10 =	sld [smem:$0x3FB7];
	_ =	sdelay $0x3  }
0x37: {  	[smem:$0x3FB7] =	sst s10  }
0x38: {  	s10 =	sld [smem:$0x3FB8]  }
0x39: {  	_ = 	snop;
	(pc) =	sbr.ind lr, $3  }
0x3a: {  	_ = 	snop  }
0x3b: {  	_ = 	snop  }
0x3c: {  	p2 =	seq.s32 s10, $0x1;
	s10 =	sld [smem:$0x3FB7]  }
0x3d: {  	_ =	shalt  }
0x3e: {  	_ =	shalt  }
0x3f: {  	_ =	shalt  }
0x40: {  	_ =	shalt  }
0x41: {  	_ =	shalt  }
0x42: {  	_ =	shalt  }
0x43: {  	_ =	shalt  }
0x44: {  	_ =	shalt  }
0x45: {  	_ =	shalt  }
0x46: {  	_ =	shalt  }
0x47: {  	_ =	shalt  }
0x48: {  	_ =	shalt  }
0x49: {  	_ =	shalt  }
0x4a: {  	_ =	shalt  }
0x4b: {  	_ =	shalt  }
0x4c: {  	_ =	shalt  }
0x4d: {  	_ =	shalt  }
0x4e: {  	_ =	shalt  }
0x4f: {  	_ =	shalt  }
0x50: {  	_ =	shalt  }
0x51: {  	_ =	shalt  }
0x52: {  	_ =	shalt  }
0x53: {  	_ =	shalt  }
0x54: {  	_ =	shalt  }
0x55: {  	_ =	shalt  }
0x56: {  	_ =	shalt  }
0x57: {  	_ =	shalt  }
0x58: {  	_ =	shalt  }
0x59: {  	_ =	shalt  }
0x5a: {  	_ =	shalt  }
0x5b: {  	_ =	shalt  }
0x5c: {  	_ =	shalt  }
0x5d: {  	_ =	shalt  }
0x5e: {  	_ =	shalt  }
0x5f: {  	_ =	shalt  }
0x60: {  	_ =	shalt  }
0x61: {  	_ =	shalt  }
0x62: {  	_ =	shalt  }
0x63: {  	_ =	shalt  }
0x64: {  	_ =	shalt  }
0x65: {  	_ =	shalt  }
0x66: {  	_ =	shalt  }
0x67: {  	_ =	shalt  }
0x68: {  	_ =	shalt  }
0x69: {  	_ =	shalt  }
0x6a: {  	_ =	shalt  }
0x6b: {  	_ =	shalt  }
0x6c: {  	_ =	shalt  }
0x6d: {  	_ =	shalt  }
0x6e: {  	_ =	shalt  }
0x6f: {  	_ =	shalt  }
0x70: {  	_ =	shalt  }
0x71: {  	_ =	shalt  }
0x72: {  	_ =	shalt  }
0x73: {  	_ =	shalt  }
0x74: {  	_ =	shalt  }
0x75: {  	_ =	shalt  }
0x76: {  	_ =	shalt  }
0x77: {  	_ =	shalt  }
0x78: {  	_ =	shalt  }
0x79: {  	_ =	shalt  }
0x7a: {  	_ =	shalt  }
0x7b: {  	_ =	shalt  }
0x7c: {  	_ =	shalt  }
0x7d: {  	_ =	shalt  }
0x7e: {  	_ =	shalt  }
0x7f: {  	_ =	shalt  }
0x80: {  	_ =	shalt  }
0x81: {  	_ =	shalt  }
0x82: {  	_ =	shalt  }
0x83: {  	_ =	shalt  }
0x84: {  	_ =	shalt  }
0x85: {  	_ =	shalt  }
0x86: {  	_ =	shalt  }
0x87: {  	_ =	shalt  }
.Lfunc_end0:
.L_simem_size_0:
called_computation_lowered:
.L_overlay_start_0:
0x88: {  	s2 =	sld [smem:$0x3FD9]  }
0x89: {  	s3 =	sld [smem:$0x3FFE];
	_ =	sdelay $0x1  }
0x8a: {  	s1 =	srdreg.scid  }
0x8b: {  	s0 =	sand.u32 $0x1, s1  }
0x8c: {  	s17 =	sshll.u32 s0, $0xA;
	s2 =	sadd.s32 s3, s2  }
0x8d: {  	s2 =	sadd.s32 s2, s17  }
0x8e: {  	[smem:$0x3FC3] =	sst s2  }
0x8f: {  	_ = 	snop  }
0x90: {  	s2 =	sld [smem:$0x3FC9]  }
0x91: {  	s18 =	sld [smem:$0x3FC6]  }
0x92: {  	s4 =	sld [smem:$0x3FD0];
	(tm) =	ssettm $0x1  }
0x93: {  	s5 =	sld [smem:$0x3FFB];
	_ =	sdelay $0x3  }
0x94: {  	_ =	strace s5  }
0x95: {  	s5 =	sld [smem:$0x3FFC];
	_ =	sdelay $0x3  }
0x96: {  	_ =	strace s5  }
0x97: {  	s5 =	sld [smem:$0x3FFD];
	_ =	sdelay $0x3  }
0x98: {  	_ =	strace s5  }
0x99: {  	_ =	strace $0x8FFFFFFF  }
0x9a: {  	s19 =	sld [smem:$0x3FDB];
	_ =	sdelay $0x1  }
0x9b: {  	s6 =	simm.s32 $_scs_section_size  }
0x9c: {  	s7 =	simm.s32 $_size__tile_overlayer_lowered;
	s8 =	simm.s32 $_tile_overlayer_lowered  }
0x9d: {  	s22 =	simm.s32 $0x1BFF;
	s21 =	sshll.u32 s8, $0x1;
	s5 =	sadd.s32 s6, s19  }
0x9e: {  	s9 =	simm.s32 $0x0;
	s20 =	sshll.u32 s7, $0x1;
	s7 =	sadd.s32 s21, s5  }
0x9f: {  	[timem:s9], [sflag:s22] =	dma.local [hbm:s7], s20  }
0xa0: {  	_ =	swait.ge [sflag:s22], s20  }
0xa1: {  	s6 =	ssub.s32 $0x0, s20;
	[sflag:s22] =	ssyncset.done $0x0  }
0xa2: {  	[sflag:s22] =	ssyncadd.s32 s6;
	_ =	sdelay $0x1  }
0xa3: {  	s23 =	simm.s32 $0x1B8B  }
0xa4: {  	_ =	swait.ge [sflag:s23], $0x1  }
0xa5: {  	[sflag:s23] =	ssyncset.done $0x0  }
0xa6: {  	s25 =	simm.s32 $0x1B8E;
	s24 =	sld [smem:$0x3FFE];
	[sflag:s23] =	ssyncadd.s32 $0xFFFFFFFF  }
0xa7: {  	s26 =	simm.s32 $execute0_lowered;
	[smem:$0x3FD2] =	sst s25  }
0xa8: {  	s7 =	sshll.u32 s26, $0x1;
	_ =	strace $0x80000046;
	[dreg:$0x1] =	wrdreg $0xFFFFFFFF  }
0xa9: {  	s28 =	simm.s32 $_size_execute0_lowered;
	s5 =	sadd.s32 s5, s7;
	[dreg:$0x0] =	wrdreg $0x0  }
0xaa: {  	s7 =	sshll.u32 s28, $0x1;
	[dreg:$0x2] =	wrdreg s5  }
0xab: {  	[dreg:$0x3] =	wrdreg s7  }
0xac: {  	[dreg:$0x4] =	wrdreg $0xC0  }
0xad: {  	_ =	task [dreg:s9], $0x5FFFF  }
0xae: {  	[dreg:$0x1] =	wrdreg $0xFFFFFFFF  }
0xaf: {  	[dreg:$0x0] =	wrdreg $0x60  }
0xb0: {  	[dreg:$0x2] =	wrdreg s2  }
0xb1: {  	[dreg:$0x3] =	wrdreg s24  }
0xb2: {  	[dreg:$0x4] =	wrdreg s18  }
0xb3: {  	[dreg:$0x5] =	wrdreg s4  }
0xb4: {  	[dreg:$0x6] =	wrdreg $0x0  }
0xb5: {  	[dreg:$0x7] =	wrdreg $0x9  }
0xb6: {  	_ =	task.clear_ibuf [dreg:s9], $0x8FFFF;
	_ =	strace $0x90000046  }
0xb7: {  	s29 =	simm.s32 $0x9;
	_ =	strace $0x80000048  }
0xb8: {  	_ =	swait.ge [sflag:s29], $0x1  }
0xb9: {  	[sflag:s29] =	ssyncadd.s32 $0xFFFFFFFF  }
0xba: {  	_ =	strace $0x90000048  }
0xbb: {  	_ =	sfence  }
0xbc: {  	s30 =	sld [smem:$0x0];
	_ =	sdelay $0x2  }
0xbd: {  	s31 =	sshll.u32 s1, $0xD;
	s1 =	sshrl.u32 s1, $0x2  }
0xbe: {  	s3 =	sand.u32 $0x4000, s31;
	s1 =	sadd.s32 s1, s30  }
0xbf: {  	s0 =	sor.u32 s3, s0;
	s1 =	sshll.u32 s1, $0x11  }
0xc0: {  	s0 =	sor.u32 s1, s0  }
0xc1: {  	s0 =	sadd.s32 $0x8F2B, s0  }
0xc2: {  	[sflag:s0] =	ssyncadd.remote.s32 $0x1  }
0xc3: {  	_ =	sfence.sel $0xFFFF  }
0xc4: {  	[dreg:$0x0] =	wrdreg $0xFFFFFFFF;
	(pc) =	sbr.abs _section_cstart, $3  }
0xc5: {  	[dreg:$0x1] =	wrdreg $0xFFFFFFFF  }
0xc6: {  	_ =	task.clear_ibuf [dreg:s9], $0x2FFFF;
	_ =	strace $0x9FFFFFFF  }
0xc7: {  	(tm) =	ssettm $0x7FFFFFFF  }
tec
execute0_lowered:
.L_overlay_start_1:
0x0: {  	(tag) =	ssettag $0x1  }
0x1: {  	s1 =	rddreg [dreg:$0x0]  }
0x2: {  	s0 =	rddreg [dreg:$0x1]  }
0x3: {  	s2 =	rddreg [dreg:$0x2]  }
0x4: {  	s5 =	rddreg [dreg:$0x3]  }
0x5: {  	s3 =	rddreg [dreg:$0x4];
	s4 =	srdreg.scid  }
0x6: {  	s10 =	stileid.u32;
	s29 =	simm.s32 $0x14C80;
	s30 =	simm.s32 $0x9C40  }
0x7: {  	s31 =	simm.s32 $0x50;
	s28 =	simm.s32 $0x0;
	s7 =	smul.u32 $0x9C4, s10  }
0x8: {  	s6 =	sand.u32 $0x1, s4;
	s4 =	simm.s32 $0x0;
	s16 =	smul.u32 $0x9C40, s10  }
0x9: {  	s8 =	ssub.s32 $0x2, s6;
	[smem:$0x7FF] =	sst s4;
	s13 =	smul.u32 $0x9C400, s6  }
0xa: {  	s9 =	sshrl.u32 s8, $0x1;
	_ =	strace $0x80000047;
	s0 =	sadd.s32 s7, s0  }
0xb: {  	s2 =	sadd.s32 s2, s7;
	s19 =	sadd.s32 $0x3C00, s16;
	s20 =	sadd.s32 $0x5000, s16  }
0xc: {  	s21 =	sadd.s32 $0x6400, s16;
	s22 =	sadd.s32 $0x7800, s16;
	s23 =	sadd.s32 $0x8C00, s16  }
0xd: {  	s8 =	ssub.s32 s8, s9;
	[dreg:$0x6] =	wrdreg s2;
	s2 =	sadd.s32 $0x1400, s16  }
0xe: {  	s9 =	sadd.s32 $0x2800, s16;
	s10 =	sadd.s32 s16, s13;
	s17 =	sadd.s32 s13, s19  }
0xf: {  	s12 =	sadd.s32 s13, s20;
	s25 =	sadd.s32 s13, s21;
	s26 =	sadd.s32 s13, s22  }
0x10: {  	s7 =	sadd.s32 s13, s23;
	s16 =	sadd.s32 s16, s3;
	s19 =	sadd.s32 s19, s3  }
0x11: {  	s20 =	sadd.s32 s20, s3;
	s21 =	sadd.s32 s21, s3;
	s22 =	sadd.s32 s22, s3  }
0x12: {  	s23 =	sadd.s32 s23, s3;
	s11 =	sadd.s32 s13, s2;
	s10 =	sshrl.u32 s10, $0x3  }
0x13: {  	s15 =	sadd.s32 s13, s9;
	s12 =	sshrl.u32 s12, $0x3;
	s7 =	sshrl.u32 s7, $0x3  }
0x14: {  	s11 =	sshrl.u32 s11, $0x3;
	s10 =	sadd.s32 s5, s10;
	s24 =	sadd.s32 s5, s12  }
0x15: {  	s12 =	sshrl.u32 s26, $0x3;
	s13 =	sadd.s32 s5, s7;
	s26 =	simm.s32 $0x2  }
0x16: {  	[dreg:$0x7] =	wrdreg s10;
	s14 =	sadd.s32 s5, s11;
	s10 =	sshrl.u32 s15, $0x3  }
0x17: {  	s11 =	sshrl.u32 s17, $0x3;
	[dreg:$0xb] =	wrdreg s24;
	s12 =	sadd.s32 s5, s12  }
0x18: {  	s15 =	sadd.s32 $0x200, s0;
	s17 =	sadd.s32 s2, s3;
	s24 =	smax.u32 s8, $0x1  }
0x19: {  	s2 =	simm.s32 $0x1;
	[dreg:$0x8] =	wrdreg s14;
	s10 =	sadd.s32 s5, s10  }
0x1a: {  	s18 =	sadd.s32 s5, s11;
	s11 =	sshrl.u32 s25, $0x3;
	s14 =	sadd.s32 $0xA000, s0  }
0x1b: {  	s0 =	simm.s32 $0x19AA0;
	s25 =	simm.s32 $0x19AF0;
	[dreg:$0x9] =	wrdreg s10  }
0x1c: {  	v1 =	vimm.f32 $0.0e+00;
	v0 =	vmov s6;
	[dreg:$0xa] =	wrdreg s18;
	s11 =	sadd.s32 s5, s11;
	s18 =	sadd.s32 s9, s3  }
.LBB2_1:
0x1d: {  	s5 =	simm.s32 $0xB040  }
0x1e: {  	[tilespmem:s5], [sflag:$0x2] =	stream.linear.gather [hbm4b:s14+s4], $0x4E20, $0x38;
	[tilespmem:$0x19B40] =	vst v63  }
0x1f: {  	_ =	swait.ge [sflag:s26], $0x4E20  }
0x20: {  	[sflag:s26] =	ssyncset.done $0x0  }
0x21: {  	s9 =	simm.s32 $0xFE60;
	[sflag:s26] =	ssyncadd.s32 $0xFFFFB1E0  }
0x22: {  	[tilespmem:s9], [sflag:$0x2] =	stream.linear.gather [hbm4b:s15+s4], $0x4E20, $0x38;
	[tilespmem:$0x19B40] =	vst v63  }
0x23: {  	_ =	swait.ge [sflag:s26], $0x4E20  }
0x24: {  	[sflag:s26] =	ssyncset.done $0x0  }
0x25: {  	s10 =	rddreg [dreg:$0x6];
	[sflag:s26] =	ssyncadd.s32 $0xFFFFB1E0  }
0x26: {  	[tilespmem:s29], [sflag:$0x2] =	stream.linear.gather [hbm4b:s10+s4], $0x4E20, $0x38;
	[tilespmem:$0x19B40] =	vst v63  }
0x27: {  	_ =	swait.ge [sflag:s26], $0x4E20  }
0x28: {  	[sflag:s26] =	ssyncset.done $0x0  }
0x29: {  	s6 =	simm.s32 $0x100;
	s5 =	simm.s32 $0x0;
	[sflag:s26] =	ssyncadd.s32 $0xFFFFB1E0  }
.LBB2_2:
0x2a: {  	p0 =	sne.s32 s6, $0x4F00;
	[tilespmem:s5+$0x9C70] =	vst v1;
	s7 =	smov.u32 s6;
	s6 =	sadd.s32 $0x100, s6  }
.Ltmp0:
0x2b: {  	[tilespmem:s5+$0x9C60] =	vst v1;
	(pc) =	sbr.rel @p0 .LBB2_2-.Ltmp0, $3  }
0x2c: {  	[tilespmem:s5+$0x9C40] =	vst v1  }
0x2d: {  	[tilespmem:s5+$0x9C50] =	vst v1;
	_ =	sdelay $0x1  }
0x2e: {  	s5 =	sshra.s32 s7, $0x2  }
0x2f: {  	[tilespmem:s5+$0x9C70] =	vst v1  }
0x30: {  	[tilespmem:s5+$0x9C60] =	vst v1  }
0x31: {  	[tilespmem:s5+$0x9C40] =	vst v1  }
0x32: {  	[tilespmem:s5+$0x9C50] =	vst v1  }
0x33: {  	[spmem:s16] =	stream.linear.scatter [tilespmem:s30], [sflag:$0x2], $0x1400, $0x38;
	[tilespmem:$0x19B40] =	vst v63  }
0x34: {  	_ =	swait.ge [sflag:s26], $0x1400  }
0x35: {  	[sflag:s26] =	ssyncset.done $0x0  }
0x36: {  	[sflag:s26] =	ssyncadd.s32 $0xFFFFEC00  }
0x37: {  	[spmem:s17] =	stream.linear.scatter [tilespmem:s30], [sflag:$0x2], $0x1400, $0x38;
	[tilespmem:$0x19B40] =	vst v63  }
0x38: {  	_ =	swait.ge [sflag:s26], $0x1400  }
0x39: {  	[sflag:s26] =	ssyncset.done $0x0  }
0x3a: {  	[sflag:s26] =	ssyncadd.s32 $0xFFFFEC00  }
0x3b: {  	[spmem:s18] =	stream.linear.scatter [tilespmem:s30], [sflag:$0x2], $0x1400, $0x38;
	[tilespmem:$0x19B40] =	vst v63  }
0x3c: {  	_ =	swait.ge [sflag:s26], $0x1400  }
0x3d: {  	[sflag:s26] =	ssyncset.done $0x0  }
0x3e: {  	[sflag:s26] =	ssyncadd.s32 $0xFFFFEC00  }
0x3f: {  	[spmem:s19] =	stream.linear.scatter [tilespmem:s30], [sflag:$0x2], $0x1400, $0x38;
	[tilespmem:$0x19B40] =	vst v63  }
0x40: {  	_ =	swait.ge [sflag:s26], $0x1400  }
0x41: {  	[sflag:s26] =	ssyncset.done $0x0  }
0x42: {  	[sflag:s26] =	ssyncadd.s32 $0xFFFFEC00  }
0x43: {  	[spmem:s20] =	stream.linear.scatter [tilespmem:s30], [sflag:$0x2], $0x1400, $0x38;
	[tilespmem:$0x19B40] =	vst v63  }
0x44: {  	_ =	swait.ge [sflag:s26], $0x1400  }
0x45: {  	[sflag:s26] =	ssyncset.done $0x0  }
0x46: {  	[sflag:s26] =	ssyncadd.s32 $0xFFFFEC00  }
0x47: {  	[spmem:s21] =	stream.linear.scatter [tilespmem:s30], [sflag:$0x2], $0x1400, $0x38;
	[tilespmem:$0x19B40] =	vst v63  }
0x48: {  	_ =	swait.ge [sflag:s26], $0x1400  }
0x49: {  	[sflag:s26] =	ssyncset.done $0x0  }
0x4a: {  	[sflag:s26] =	ssyncadd.s32 $0xFFFFEC00  }
0x4b: {  	[spmem:s22] =	stream.linear.scatter [tilespmem:s30], [sflag:$0x2], $0x1400, $0x38;
	[tilespmem:$0x19B40] =	vst v63  }
0x4c: {  	_ =	swait.ge [sflag:s26], $0x1400  }
0x4d: {  	[sflag:s26] =	ssyncset.done $0x0  }
0x4e: {  	[sflag:s26] =	ssyncadd.s32 $0xFFFFEC00  }
0x4f: {  	[spmem:s23] =	stream.linear.scatter [tilespmem:s30], [sflag:$0x2], $0x1040, $0x38;
	[tilespmem:$0x19B40] =	vst v63  }
0x50: {  	_ =	swait.ge [sflag:s26], $0x1040  }
0x51: {  	[sflag:s26] =	ssyncset.done $0x0  }
0x52: {  	[sflag:s26] =	ssyncadd.s32 $0xFFFFEFC0  }
0x53: {  	s5 =	simm.s32 $0x0;
	s6 =	simm.s32 $0x0;
	[bflag:$0x0] =	sbarrier.arrive $0xFFFF  }
.LBB2_4:
0x54: {  	s7 =	smul.u32 $0x50, s6;
	_ =	sdelay $0x1  }
0x55: {  	v2 =	vld [tilespmem:s7+$0xB040];
	_ =	sdelay $0x4  }
0x56: {  	v2 =	vshll.u32 v2, $0x1  }
0x57: {  	v2 =	vor.u32 v0, v2  }
0x58: {  	[tilespmem:$0x19AA0] =	vst v2  }
0x59: {  	v2 =	vld [tilespmem:s7+$0xFE60];
	_ =	sdelay $0x4  }
0x5a: {  	[tilespmem:$0x19AF0] =	vst v2  }
0x5b: {  	v2 =	vld [tilespmem:s7+$0xB050];
	_ =	sdelay $0x4  }
0x5c: {  	v2 =	vshll.u32 v2, $0x1  }
0x5d: {  	v2 =	vor.u32 v0, v2  }
0x5e: {  	[tilespmem:$0x19AB0] =	vst v2  }
0x5f: {  	v2 =	vld [tilespmem:s7+$0xFE70];
	_ =	sdelay $0x4  }
0x60: {  	[tilespmem:$0x19B00] =	vst v2  }
0x61: {  	v2 =	vld [tilespmem:s7+$0xB060];
	_ =	sdelay $0x4  }
0x62: {  	v2 =	vshll.u32 v2, $0x1  }
0x63: {  	v2 =	vor.u32 v0, v2  }
0x64: {  	[tilespmem:$0x19AC0] =	vst v2  }
0x65: {  	v2 =	vld [tilespmem:s7+$0xFE80];
	_ =	sdelay $0x4  }
0x66: {  	[tilespmem:$0x19B10] =	vst v2  }
0x67: {  	v2 =	vld [tilespmem:s7+$0xB070];
	_ =	sdelay $0x4  }
0x68: {  	v2 =	vshll.u32 v2, $0x1  }
0x69: {  	v2 =	vor.u32 v0, v2  }
0x6a: {  	[tilespmem:$0x19AD0] =	vst v2  }
0x6b: {  	v2 =	vld [tilespmem:s7+$0xFE90];
	_ =	sdelay $0x4  }
0x6c: {  	[tilespmem:$0x19B20] =	vst v2  }
0x6d: {  	v2 =	vld [tilespmem:s7+$0xB080];
	_ =	sdelay $0x4  }
0x6e: {  	v2 =	vshll.u32 v2, $0x1  }
0x6f: {  	v2 =	vor.u32 v0, v2  }
0x70: {  	[tilespmem:$0x19AE0] =	vst v2  }
0x71: {  	v2 =	vld [tilespmem:s7+$0xFEA0];
	_ =	sdelay $0x4  }
0x72: {  	s10 =	sadd.s32 $0x0, s5;
	[tilespmem:$0x19B30] =	vst v2  }
0x73: {  	[tilespmem:s30], [sflag:$0x1] =	stream.indirect.gather [hbm4b:s1+s31], $0x40, s0, s31, $0xb8;
	[tilespmem:$0x19B40] =	vst v63  }
0x74: {  	v2 =	vmov s10;
	_ =	swait.ge [sflag:s2], $0x1400  }
0x75: {  	[sflag:s2] =	ssyncset.done $0x0  }
0x76: {  	s7 =	simm.s32 $0x9C60;
	[sflag:s2] =	ssyncadd.s32 $0xFFFFEC00  }
0x77: {  	v4 =	vld [tilespmem:s7+$0xFFFFFFF0]  }
0x78: {  	v5 =	vld [tilespmem:s7+$0x10]  }
0x79: {  	v7 =	vld.idx.msk [tilespmem:v2+s29+$0x0], $0xffff  }
0x7a: {  	v2 =	vld [tilespmem:s7+$0xFFFFFFE0]  }
0x7b: {  	v8 =	vld [tilespmem:s7+$0x0];
	_ =	sdelay $0x3  }
0x7c: {  	s9 =	sadd.s32 $0x1, s5;
	v3 =	vmul.f32 v2, v7;
	v6 =	vmul.f32 v5, v7  }
0x7d: {  	s8 =	simm.s32 $0x2;
	v2 =	vmov s9;
	v5 =	vmul.f32 v4, v7;
	v4 =	vmul.f32 v8, v7;
	s9 =	simm.s32 $0x9C60  }
.LBB2_5:
0x7e: {  	p0 =	sne.s32 s8, $0x4F  }
0x7f: {  	[tilespmem:s7+$0x10] =	vst v6;
	s9 =	sadd.s32 $0x40, s9;
	s10 =	smov.u32 s8;
	s8 =	sadd.s32 $0x1, s8  }
0x80: {  	[tilespmem:s7+$0xFFFFFFE0] =	vst v3  }
0x81: {  	v7 =	vld [tilespmem:s9+$0xFFFFFFF0];
	[tilespmem:s7+$0xFFFFFFF0] =	vst v5  }
0x82: {  	v5 =	vld [tilespmem:s9+$0x10];
	[tilespmem:s7+$0x0] =	vst v4;
	s7 =	smov.u32 s9  }
0x83: {  	v4 =	vld.idx.msk [tilespmem:v2+s29+$0x0], $0xffff  }
0x84: {  	v2 =	vld [tilespmem:s9+$0xFFFFFFE0]  }
0x85: {  	v8 =	vld [tilespmem:s9+$0x0]  }
.Ltmp1:
0x86: {  	(pc) =	sbr.rel @p0 .LBB2_5-.Ltmp1, $3  }
0x87: {  	_ =	sdelay $0x1  }
0x88: {  	s10 =	sadd.s32 s10, s5;
	v6 =	vmul.f32 v5, v4;
	v3 =	vmul.f32 v2, v4  }
0x89: {  	v5 =	vmul.f32 v7, v4;
	v2 =	vmov s10;
	v4 =	vmul.f32 v8, v4  }
0x8a: {  	[tilespmem:s7+$0x10] =	vst v6  }
0x8b: {  	s8 =	sadd.s32 $0x40, s9;
	[tilespmem:s7+$0xFFFFFFE0] =	vst v3  }
0x8c: {  	v3 =	vld [tilespmem:s8+$0xFFFFFFF0];
	[tilespmem:s7+$0xFFFFFFF0] =	vst v5  }
0x8d: {  	v5 =	vld [tilespmem:s8+$0x10];
	[tilespmem:s7+$0x0] =	vst v4  }
0x8e: {  	v2 =	vld.idx.msk [tilespmem:v2+s29+$0x0], $0xffff  }
0x8f: {  	v4 =	vld [tilespmem:s8+$0xFFFFFFE0];
	_ =	sdelay $0x1  }
0x90: {  	v6 =	vld [tilespmem:s8+$0x0];
	_ =	sdelay $0x1  }
0x91: {  	v5 =	vmul.f32 v5, v2  }
0x92: {  	v4 =	vmul.f32 v4, v2  }
0x93: {  	v3 =	vmul.f32 v3, v2;
	[tilespmem:s8+$0x10] =	vst v5  }
0x94: {  	s6 =	sadd.s32 $0x1, s6;
	v2 =	vmul.f32 v6, v2;
	[tilespmem:s8+$0xFFFFFFE0] =	vst v4  }
0x95: {  	p0 =	sne.s32 s6, $0xFA;
	[tilespmem:s8+$0xFFFFFFF0] =	vst v3  }
.Ltmp2:
0x96: {  	[tilespmem:s8+$0x0] =	vst v2;
	(pc) =	sbr.rel @p0 .LBB2_4-.Ltmp2, $4  }
0x97: {  	[spmem:s3] =	stream.indirect.scatter.add.f32 [tilespmem:s30], [sflag:$0x2], $0x40, s25, s31, $0xb8;
	[tilespmem:$0x19B40] =	vst v63  }
0x98: {  	_ =	swait.ge [sflag:s26], $0x1400  }
0x99: {  	[sflag:s26] =	ssyncset.done $0x0  }
0x9a: {  	s5 =	sadd.s32 $0x50, s5;
	[sflag:s26] =	ssyncadd.s32 $0xFFFFEC00  }
0x9b: {  	s5 =	stileid.u32  }
0x9c: {  	[bflag:$0x0] =	sbarrier.arrive $0xFFFF;
	s5 =	sshll.u32 s5, $0x6  }
0x9d: {  	s6 =	sshrl.u32 s16, $0x3;
	s7 =	rddreg [dreg:$0x7];
	s5 =	sor.u32 $0x1C02, s5  }
0x9e: {  	[hbm:s7], [sflag:s5] =	dma.local [spmem:s6], $0x280  }
0x9f: {  	_ =	swait.ge [sflag:s26], $0x280  }
0xa0: {  	[sflag:s26] =	ssyncset.done $0x0  }
0xa1: {  	s7 =	sshrl.u32 s17, $0x3;
	s8 =	rddreg [dreg:$0x8];
	[sflag:s26] =	ssyncadd.s32 $0xFFFFFD80  }
0xa2: {  	[hbm:s8], [sflag:s5] =	dma.local [spmem:s7], $0x280  }
0xa3: {  	_ =	swait.ge [sflag:s26], $0x280  }
0xa4: {  	[sflag:s26] =	ssyncset.done $0x0  }
0xa5: {  	s9 =	sshrl.u32 s18, $0x3;
	s10 =	rddreg [dreg:$0x9];
	[sflag:s26] =	ssyncadd.s32 $0xFFFFFD80  }
0xa6: {  	[hbm:s10], [sflag:s5] =	dma.local [spmem:s9], $0x280  }
0xa7: {  	_ =	swait.ge [sflag:s26], $0x280  }
0xa8: {  	[sflag:s26] =	ssyncset.done $0x0  }
0xa9: {  	s7 =	sshrl.u32 s19, $0x3;
	s8 =	rddreg [dreg:$0xa];
	[sflag:s26] =	ssyncadd.s32 $0xFFFFFD80  }
0xaa: {  	[hbm:s8], [sflag:s5] =	dma.local [spmem:s7], $0x280  }
0xab: {  	_ =	swait.ge [sflag:s26], $0x280  }
0xac: {  	[sflag:s26] =	ssyncset.done $0x0  }
0xad: {  	s9 =	sshrl.u32 s20, $0x3;
	s10 =	rddreg [dreg:$0xb];
	[sflag:s26] =	ssyncadd.s32 $0xFFFFFD80  }
0xae: {  	[hbm:s10], [sflag:s5] =	dma.local [spmem:s9], $0x280  }
0xaf: {  	_ =	swait.ge [sflag:s26], $0x280  }
0xb0: {  	[sflag:s26] =	ssyncset.done $0x0  }
0xb1: {  	s8 =	sshrl.u32 s21, $0x3;
	[sflag:s26] =	ssyncadd.s32 $0xFFFFFD80  }
0xb2: {  	[hbm:s11], [sflag:s5] =	dma.local [spmem:s8], $0x280  }
0xb3: {  	_ =	swait.ge [sflag:s26], $0x280  }
0xb4: {  	[sflag:s26] =	ssyncset.done $0x0  }
0xb5: {  	s9 =	sshrl.u32 s22, $0x3;
	[sflag:s26] =	ssyncadd.s32 $0xFFFFFD80  }
0xb6: {  	[hbm:s12], [sflag:s5] =	dma.local [spmem:s9], $0x280  }
0xb7: {  	s28 =	sadd.s32 $0x1, s28;
	_ =	swait.ge [sflag:s26], $0x280  }
0xb8: {  	p0 =	sne.s32 s28, s24;
	[sflag:s26] =	ssyncset.done $0x0  }
.Ltmp3:
0xb9: {  	s10 =	sshrl.u32 s23, $0x3;
	[sflag:s26] =	ssyncadd.s32 $0xFFFFFD80;
	(pc) =	sbr.rel @p0 .LBB2_1-.Ltmp3, $4  }
0xba: {  	[hbm:s13], [sflag:s5] =	dma.local [spmem:s10], $0x208  }
0xbb: {  	_ =	swait.ge [sflag:s26], $0x208  }
0xbc: {  	[sflag:s26] =	ssyncset.done $0x0  }
0xbd: {  	[sflag:s26] =	ssyncadd.s32 $0xFFFFFDF8  }
0xbe: {  	_ =	sfence.sel $0x180000  }
0xbf: {  	[bflag:$0x0] =	sbarrier.arrive $0xFFFF  }
0xc0: {  	_ =	strace $0x90000047  }
0xc1: {  	s0 =	stileid.u32;
	[bflag:$0x2] =	sbarrier.arrive $0xFFFF  }
0xc2: {  	p0 =	sne.s32 s0, $0x0;
	s0 =	rddreg [dreg:$0x5]  }
0xc3: {  	s0 =	sadd.s32 @!p0 $0x100000, s0  }
0xc4: {  	[sflag:s0] =	ssyncadd.tile.s32 @!p0 $0x1;
	_ =	shalt  }
.Lfunc_end2:
_tile_overlayer_lowered:
.L_overlay_start_2:
0xc5: {  	(tag) =	ssettag $0x2  }
0xc6: {  	s0 =	rddreg [dreg:$0x0];
	s2 =	stileid.u32  }
0xc7: {  	s1 =	rddreg [dreg:$0x1];
	p0 =	sne.s32 s2, $0x0  }
0xc8: {  	s3 =	rddreg [dreg:$0x2];
	[bflag:$0x3] =	sbarrier.arrive $0xFFFF;
	s2 =	simm.s32 @!p0 $0x1C02  }
0xc9: {  	[timem:s3], [sflag:s2] =	dma.local @!p0 [hbm:s0], s1  }
0xca: {  	s0 =	simm.s32 @!p0 $0x2  }
0xcb: {  	_ =	swait.ge @!p0 [sflag:s0], s1  }
0xcc: {  	s1 =	ssub.s32 @!p0 $0x0, s1;
	[sflag:s0] =	ssyncset.done @!p0 $0x0  }
0xcd: {  	[sflag:s0] =	ssyncadd.s32 @!p0 s1  }
0xce: {  	[bflag:$0x3] =	sbarrier.arrive $0xFFFF  }
0xcf: {  	_ =	shalt  }

</sc_bundles>
